<compile_context>
chip_gen: v7x
topology: tpu7x:2x2x1
jax: 0.10.2.dev20260603
libtpu: 0.0.44.dev20260713+nightly
codegen_flags: <defaults>
</compile_context>

<pallas_src>
import functools

import jax
import jax.numpy as jnp
from jax import lax
from jax.experimental import pallas as pl
from jax.experimental.pallas import tpu as pltpu
from jax.experimental.pallas import tpu_sc as plsc

N, E, D, H, O, R = 10000, 320000, 128, 128, 128, 2

NC, NS, LANES = 2, 16, 16
CH = 128
TRASH = N
N_PAD = 10112
E_PAD = 323584
CHUNKS_A = E_PAD // (NS * CH)
CHUNKS_B = E_PAD // (NC * NS * CH)
NCH = N_PAD // CH
KMAX = (NCH + NS - 1) // NS

_mesh = plsc.VectorSubcoreMesh(core_axis_name="c", subcore_axis_name="s")
_sc_params = pltpu.CompilerParams(use_tc_tiling_on_sc=False)


@functools.partial(
    pl.kernel,
    out_type=[
        jax.ShapeDtypeStruct((NC, N_PAD, D), jnp.float32),
        jax.ShapeDtypeStruct((NC, N_PAD, LANES), jnp.float32),
    ],
    mesh=_mesh,
    compiler_params=_sc_params,
    scratch_types=[
        pltpu.VMEM((CH, D), jnp.float32),
        pltpu.VMEM((1, CH), jnp.int32),
        pltpu.VMEM((1, CH), jnp.int32),
        pltpu.VMEM((CH, LANES), jnp.float32),
        pltpu.VMEM((CH, LANES), jnp.float32),
        pltpu.VMEM_SHARED((N_PAD, D), jnp.float32),
        pltpu.VMEM_SHARED((N_PAD, LANES), jnp.float32),
    ],
)
def _sc_pass_a(x_hbm, src_hbm, dstm_hbm, z128_hbm, z16_hbm, ones_hbm,
               agg_out, cnt_out,
               rows_v, sidx_v, didx_v, ones_v, cbuf_v, agg_sh, cnt_sh):
    c = lax.axis_index("c")
    s = lax.axis_index("s")

    pltpu.sync_copy(z128_hbm.at[pl.ds(0, CH)], rows_v)
    pltpu.sync_copy(z16_hbm.at[pl.ds(0, CH)], cbuf_v)
    for k in range(KMAX):
        ch = s + NS * k

        @pl.when(ch < NCH)
        def _():
            r = ch * CH
            pltpu.sync_copy(rows_v, agg_sh.at[pl.ds(r, CH)])
            pltpu.sync_copy(cbuf_v, cnt_sh.at[pl.ds(r, CH)])

    pltpu.sync_copy(ones_hbm, ones_v)
    plsc.subcore_barrier()

    def body(j, carry):
        base = (s * CHUNKS_A + j) * CH
        pltpu.sync_copy(src_hbm.at[pl.ds(base, CH)], sidx_v.at[0])
        pltpu.sync_copy(dstm_hbm.at[pl.ds(c * E_PAD + base, CH)], didx_v.at[0])
        pltpu.sync_copy(x_hbm.at[sidx_v.at[0]], rows_v)
        pltpu.sync_copy(rows_v, agg_sh.at[didx_v.at[0]], add=True)
        pltpu.sync_copy(ones_v, cnt_sh.at[didx_v.at[0]], add=True)
        return carry

    lax.fori_loop(0, CHUNKS_A, body, 0)
    plsc.subcore_barrier()

    for k in range(KMAX):
        ch = s + NS * k

        @pl.when(ch < NCH)
        def _():
            r = ch * CH
            pltpu.sync_copy(agg_sh.at[pl.ds(r, CH)], rows_v)
            pltpu.sync_copy(rows_v, agg_out.at[c, pl.ds(r, CH)])
            pltpu.sync_copy(cnt_sh.at[pl.ds(r, CH)], cbuf_v)
            pltpu.sync_copy(cbuf_v, cnt_out.at[c, pl.ds(r, CH)])


@functools.partial(
    pl.kernel,
    out_type=jax.ShapeDtypeStruct((NC, N_PAD, D), jnp.float32),
    mesh=_mesh,
    compiler_params=_sc_params,
    scratch_types=[
        pltpu.VMEM((CH, D), jnp.float32),
        pltpu.VMEM((1, CH), jnp.int32),
        pltpu.VMEM((1, CH), jnp.int32),
        pltpu.VMEM_SHARED((N_PAD, D), jnp.float32),
    ],
)
def _sc_pass_b(h_hbm, src_hbm, dstp_hbm, z128_hbm,
               part_out, rows_v, sidx_v, didx_v, agg_sh):
    c = lax.axis_index("c")
    s = lax.axis_index("s")

    pltpu.sync_copy(z128_hbm.at[pl.ds(0, CH)], rows_v)
    for k in range(KMAX):
        ch = s + NS * k

        @pl.when(ch < NCH)
        def _():
            pltpu.sync_copy(rows_v, agg_sh.at[pl.ds(ch * CH, CH)])

    plsc.subcore_barrier()

    def body(j, carry):
        base = ((c * NS + s) * CHUNKS_B + j) * CH
        pltpu.sync_copy(src_hbm.at[pl.ds(base, CH)], sidx_v.at[0])
        pltpu.sync_copy(dstp_hbm.at[pl.ds(base, CH)], didx_v.at[0])
        pltpu.sync_copy(h_hbm.at[sidx_v.at[0]], rows_v)
        pltpu.sync_copy(rows_v, agg_sh.at[didx_v.at[0]], add=True)
        return carry

    lax.fori_loop(0, CHUNKS_B, body, 0)
    plsc.subcore_barrier()

    for k in range(KMAX):
        ch = s + NS * k

        @pl.when(ch < NCH)
        def _():
            r = ch * CH
            pltpu.sync_copy(agg_sh.at[pl.ds(r, CH)], rows_v)
            pltpu.sync_copy(rows_v, part_out.at[c, pl.ds(r, CH)])


_BLK = 400


def _tc1_body(x_ref, a0_ref, a1_ref, c0_ref, c1_ref,
              wr_ref, w0_ref, w1_ref, b_ref, h_ref):
    cnt0 = jnp.maximum(c0_ref[:, 0:1], 1.0)
    cnt1 = jnp.maximum(c1_ref[:, 0:1], 1.0)
    acc = jnp.dot(x_ref[...], wr_ref[...], preferred_element_type=jnp.float32)
    acc += jnp.dot(a0_ref[...] / cnt0, w0_ref[...],
                   preferred_element_type=jnp.float32)
    acc += jnp.dot(a1_ref[...] / cnt1, w1_ref[...],
                   preferred_element_type=jnp.float32)
    h_ref[...] = jnp.maximum(acc + b_ref[...], 0.0)


def _tc2_body(p0_ref, p1_ref, h_ref, wrel_ref, wroot_ref, b_ref, o_ref):
    acc = jnp.dot(p0_ref[...] + p1_ref[...], wrel_ref[...],
                  preferred_element_type=jnp.float32)
    acc += jnp.dot(h_ref[...], wroot_ref[...],
                   preferred_element_type=jnp.float32)
    o_ref[...] = acc + b_ref[...]


def _row_blk(i):
    return (i, 0)


def _whole(i):
    return (0, 0)


def kernel(x, relationsedge_indices_relations, edge_type, W_rel1, W_root1, b1,
           W_rel2, W_root2, b2):
    edge_index = relationsedge_indices_relations[-1]
    src = edge_index[0].astype(jnp.int32)
    dst = edge_index[1].astype(jnp.int32)
    et = edge_type.astype(jnp.int32)

    pad = E_PAD - E
    src_p = jnp.concatenate([src, jnp.zeros((pad,), jnp.int32)])
    dst_p = jnp.concatenate([dst, jnp.full((pad,), TRASH, jnp.int32)])
    et_p = jnp.concatenate([et, jnp.full((pad,), R, jnp.int32)])
    dstm = jnp.concatenate(
        [jnp.where(et_p == r, dst_p, TRASH) for r in range(R)])

    z128 = jnp.zeros((N_PAD, D), jnp.float32)
    z16 = jnp.zeros((N_PAD, LANES), jnp.float32)
    ones = jnp.ones((CH, LANES), jnp.float32)

    agg, cnt = _sc_pass_a(x, src_p, dstm, z128, z16, ones)

    rowspec = pl.BlockSpec((_BLK, D), _row_blk)
    cntspec = pl.BlockSpec((_BLK, LANES), _row_blk)
    wspec = pl.BlockSpec((D, D), _whole)
    bspec = pl.BlockSpec((1, D), _whole)

    h = pl.pallas_call(
        _tc1_body,
        grid=(N // _BLK,),
        in_specs=[rowspec, rowspec, rowspec, cntspec, cntspec,
                  wspec, wspec, wspec, bspec],
        out_specs=rowspec,
        out_shape=jax.ShapeDtypeStruct((N, D), jnp.float32),
    )(x, agg[0, :N], agg[1, :N], cnt[0, :N], cnt[1, :N],
      W_root1, W_rel1[0], W_rel1[1], b1.reshape(1, D))

    part = _sc_pass_b(h, src_p, dst_p, z128)

    out2 = pl.pallas_call(
        _tc2_body,
        grid=(N // _BLK,),
        in_specs=[rowspec, rowspec, rowspec, wspec, wspec, bspec],
        out_specs=rowspec,
        out_shape=jax.ShapeDtypeStruct((N, O), jnp.float32),
    )(part[0, :N], part[1, :N], h, W_rel2, W_root2, b2.reshape(1, O))

    return out2.reshape(-1, 1, O)

# --- scband reference (transcript-rebuilt; emitter-appended) ---
"""Pipeline reference for scband-rgcn-38560216384099 (READ-ONLY COPY).

The authoritative reference and input builder live on the scoring server;
editing this copy changes nothing except your own understanding.
"""

import jax, jax.numpy as jnp
import numpy as np

N, E, D, H, O, R = 10000, 320000, 128, 128, 128, 2


def setup_inputs(seed: int = 0) -> dict:
    key = jax.random.key(seed)
    ks = jax.random.split(key, 10)
    x = jax.random.normal(ks[0], (N, D), dtype=jnp.float32)
    # forward passes a list of edge_index tensors and uses [-1]; we model it as [1, 2, E]
    edges = jax.random.randint(ks[1], (1, 2, E), 0, N, dtype=jnp.int32)
    edge_type = jax.random.randint(ks[2], (E,), 0, R, dtype=jnp.int32)
    # RGCNConv(input_dim, hidden_dim1, num_relations=2): per-relation weights + root weight + bias
    W_rel1 = jax.random.normal(ks[3], (R, D, H), dtype=jnp.float32) * (1.0 / np.sqrt(D))
    W_root1 = jax.random.normal(ks[4], (D, H), dtype=jnp.float32) * (1.0 / np.sqrt(D))
    b1 = jnp.zeros((H,), dtype=jnp.float32)
    # GraphConv(hidden_dim1, output_dim): lin_rel (with bias) on aggregated neighbors + lin_root on self
    W_rel2 = jax.random.normal(ks[5], (H, O), dtype=jnp.float32) * (1.0 / np.sqrt(H))
    W_root2 = jax.random.normal(ks[6], (H, O), dtype=jnp.float32) * (1.0 / np.sqrt(H))
    b2 = jnp.zeros((O,), dtype=jnp.float32)
    return {"x": x, "relationsedge_indices_relations": edges, "edge_type": edge_type,
            "W_rel1": W_rel1, "W_root1": W_root1, "b1": b1,
            "W_rel2": W_rel2, "W_root2": W_root2, "b2": b2}


def reference(x, relationsedge_indices_relations, edge_type, W_rel1, W_root1, b1, W_rel2, W_root2, b2):
    edge_index = relationsedge_indices_relations[-1]
    src = edge_index[0]
    dst = edge_index[1]
    # ---- RGCNConv: mean aggregation per relation, then per-relation linear; plus root + bias ----
    out = x @ W_root1 + b1
    for r in range(R):
        m = (edge_type == r).astype(x.dtype)
        msg = jnp.take(x, src, axis=0) * m[:, None]
        agg = jax.ops.segment_sum(msg, dst, num_segments=N)
        cnt = jax.ops.segment_sum(m, dst, num_segments=N)
        mean = agg / jnp.maximum(cnt, 1.0)[:, None]
        out = out + mean @ W_rel1[r]
    h = jax.nn.relu(out)
    # ---- GraphConv: sum aggregation, lin_rel(agg) + lin_root(x) + bias ----
    agg2 = jax.ops.segment_sum(jnp.take(h, src, axis=0), dst, num_segments=N)
    out2 = agg2 @ W_rel2 + h @ W_root2 + b2
    # reshape(-1, 1, output_dim) and cat over relations (self.relations == 1)
    return out2.reshape(-1, 1, O)

if __name__ == "__main__":
    import jax
    _d = setup_inputs()
    print(jax.jit(kernel)(*tuple(_d.values())))

</pallas_src>

<mosaic_0001>
#map = affine_map<(d0, d1) -> (0, 0)>
#map1 = affine_map<(d0, d1) -> (0)>
#map2 = affine_map<(d0, d1) -> (0, 0, 0)>
module attributes {stable_mosaic.version = 14 : i64} {
  func.func @_sc_pass_a(%arg0: i32, %arg1: i32, %arg2: memref<10000x128xf32, #tpu.memory_space<hbm>>, %arg3: memref<323584xi32, #tpu.memory_space<hbm>>, %arg4: memref<647168xi32, #tpu.memory_space<hbm>>, %arg5: memref<10112x128xf32, #tpu.memory_space<hbm>>, %arg6: memref<10112x16xf32, #tpu.memory_space<hbm>>, %arg7: memref<128x16xf32, #tpu.memory_space<hbm>>, %arg8: memref<2x10112x128xf32, #tpu.memory_space<hbm>>, %arg9: memref<2x10112x16xf32, #tpu.memory_space<hbm>>, %arg10: memref<128x128xf32, #tpu.memory_space<vmem>>, %arg11: memref<1x128xi32, #tpu.memory_space<vmem>>, %arg12: memref<1x128xi32, #tpu.memory_space<vmem>>, %arg13: memref<128x16xf32, #tpu.memory_space<vmem>>, %arg14: memref<128x16xf32, #tpu.memory_space<vmem>>, %arg15: memref<10112x128xf32, #tpu.memory_space<vmem_shared>>, %arg16: memref<10112x16xf32, #tpu.memory_space<vmem_shared>>) attributes {dimension_semantics = [#tpu.dimension_semantics<core_parallel>, #tpu.dimension_semantics<subcore_parallel>], iteration_bounds = array<i64: 2, 16>, scalar_prefetch = 0 : i64, scratch_operands = 7 : i64, tpu.core_type = #tpu.core_type<sc_vector_subcore>, window_params = [{transform_indices = #map}, {transform_indices = #map1}, {transform_indices = #map1}, {transform_indices = #map}, {transform_indices = #map}, {transform_indices = #map}, {transform_indices = #map2}, {transform_indices = #map2}]} {
    "tpu.region"() ({
      %run_scoped3A = tpu.sem_alloc : memref<!tpu.dma_semaphore, #tpu.memory_space<semaphore_mem>>
      %dma_start3A = arith.constant 0 : i32
      %dma_start3A_72 = arith.constant 0 : i32
      %dma_start3A_73 = tpu.memref_slice %arg5[%dma_start3A, %dma_start3A_72] : memref<10112x128xf32, #tpu.memory_space<hbm>> -> memref<128x128xf32, #tpu.memory_space<hbm>>
      %dma_start3A_74 = arith.constant 0 : i32
      %dma_start3A_75 = arith.constant 0 : i32
      %dma_start3A_76 = tpu.memref_slice %arg5[%dma_start3A_74, %dma_start3A_75] : memref<10112x128xf32, #tpu.memory_space<hbm>> -> memref<128x128xf32, #tpu.memory_space<hbm>>
      tpu.enqueue_dma source(%dma_start3A_76 : memref<128x128xf32, #tpu.memory_space<hbm>>) target(%arg10 : memref<128x128xf32, #tpu.memory_space<vmem>>) target_semaphore(%run_scoped3A : memref<!tpu.dma_semaphore, #tpu.memory_space<semaphore_mem>>)
      %dma_wait3A = arith.constant 0 : i32
      %dma_wait3A_77 = arith.constant 0 : i32
      %dma_wait3A_78 = tpu.memref_slice %arg5[%dma_wait3A, %dma_wait3A_77] : memref<10112x128xf32, #tpu.memory_space<hbm>> -> memref<128x128xf32, #tpu.memory_space<hbm>>
      %dma_wait3A_79 = arith.constant 0 : i32
      %dma_wait3A_80 = arith.constant 0 : i32
      %dma_wait3A_81 = tpu.memref_slice %arg5[%dma_wait3A_79, %dma_wait3A_80] : memref<10112x128xf32, #tpu.memory_space<hbm>> -> memref<128x128xf32, #tpu.memory_space<hbm>>
      tpu.wait_dma2 semaphore(%run_scoped3A : memref<!tpu.dma_semaphore, #tpu.memory_space<semaphore_mem>>) src(%dma_wait3A_81 : memref<128x128xf32, #tpu.memory_space<hbm>>) dst(%arg10 : memref<128x128xf32, #tpu.memory_space<vmem>>)
      tpu.yield
    }) : () -> ()
    "tpu.region"() ({
      %run_scoped3A = tpu.sem_alloc : memref<!tpu.dma_semaphore, #tpu.memory_space<semaphore_mem>>
      %dma_start3A = arith.constant 0 : i32
      %dma_start3A_72 = arith.constant 0 : i32
      %dma_start3A_73 = tpu.memref_slice %arg6[%dma_start3A, %dma_start3A_72] : memref<10112x16xf32, #tpu.memory_space<hbm>> -> memref<128x16xf32, #tpu.memory_space<hbm>>
      %dma_start3A_74 = arith.constant 0 : i32
      %dma_start3A_75 = arith.constant 0 : i32
      %dma_start3A_76 = tpu.memref_slice %arg6[%dma_start3A_74, %dma_start3A_75] : memref<10112x16xf32, #tpu.memory_space<hbm>> -> memref<128x16xf32, #tpu.memory_space<hbm>>
      tpu.enqueue_dma source(%dma_start3A_76 : memref<128x16xf32, #tpu.memory_space<hbm>>) target(%arg14 : memref<128x16xf32, #tpu.memory_space<vmem>>) target_semaphore(%run_scoped3A : memref<!tpu.dma_semaphore, #tpu.memory_space<semaphore_mem>>)
      %dma_wait3A = arith.constant 0 : i32
      %dma_wait3A_77 = arith.constant 0 : i32
      %dma_wait3A_78 = tpu.memref_slice %arg6[%dma_wait3A, %dma_wait3A_77] : memref<10112x16xf32, #tpu.memory_space<hbm>> -> memref<128x16xf32, #tpu.memory_space<hbm>>
      %dma_wait3A_79 = arith.constant 0 : i32
      %dma_wait3A_80 = arith.constant 0 : i32
      %dma_wait3A_81 = tpu.memref_slice %arg6[%dma_wait3A_79, %dma_wait3A_80] : memref<10112x16xf32, #tpu.memory_space<hbm>> -> memref<128x16xf32, #tpu.memory_space<hbm>>
      tpu.wait_dma2 semaphore(%run_scoped3A : memref<!tpu.dma_semaphore, #tpu.memory_space<semaphore_mem>>) src(%dma_wait3A_81 : memref<128x16xf32, #tpu.memory_space<hbm>>) dst(%arg14 : memref<128x16xf32, #tpu.memory_space<vmem>>)
      tpu.yield
    }) : () -> ()
    %add3A = arith.constant 0 : i32
    %add3A_0 = arith.addi %arg1, %add3A : i32
    %lt3A = arith.constant 79 : i32
    %lt3A_1 = arith.cmpi slt, %add3A_0, %lt3A : i32
    %convert_element_type3A = arith.extui %lt3A_1 : i1 to i32
    %cond3A = arith.constant 0 : i32
    %cond3A_2 = arith.cmpi ne, %convert_element_type3A, %cond3A : i32
    scf.if %cond3A_2 {
      %mul3A = arith.constant 128 : i32
      %mul3A_72 = arith.muli %add3A_0, %mul3A : i32
      "tpu.region"() ({
        %run_scoped3A = tpu.sem_alloc : memref<!tpu.dma_semaphore, #tpu.memory_space<semaphore_mem>>
        %dma_start3A = arith.constant 0 : i32
        %dma_start3A_73 = tpu.memref_slice %arg15[%mul3A_72, %dma_start3A] : memref<10112x128xf32, #tpu.memory_space<vmem_shared>> -> memref<128x128xf32, #tpu.memory_space<vmem_shared>>
        %dma_start3A_74 = arith.constant 0 : i32
        %dma_start3A_75 = tpu.memref_slice %arg15[%mul3A_72, %dma_start3A_74] : memref<10112x128xf32, #tpu.memory_space<vmem_shared>> -> memref<128x128xf32, #tpu.memory_space<vmem_shared>>
        tpu.enqueue_dma source(%arg10 : memref<128x128xf32, #tpu.memory_space<vmem>>) target(%dma_start3A_75 : memref<128x128xf32, #tpu.memory_space<vmem_shared>>) target_semaphore(%run_scoped3A : memref<!tpu.dma_semaphore, #tpu.memory_space<semaphore_mem>>)
        %dma_wait3A = arith.constant 0 : i32
        %dma_wait3A_76 = tpu.memref_slice %arg15[%mul3A_72, %dma_wait3A] : memref<10112x128xf32, #tpu.memory_space<vmem_shared>> -> memref<128x128xf32, #tpu.memory_space<vmem_shared>>
        %dma_wait3A_77 = arith.constant 0 : i32
        %dma_wait3A_78 = tpu.memref_slice %arg15[%mul3A_72, %dma_wait3A_77] : memref<10112x128xf32, #tpu.memory_space<vmem_shared>> -> memref<128x128xf32, #tpu.memory_space<vmem_shared>>
        tpu.wait_dma2 semaphore(%run_scoped3A : memref<!tpu.dma_semaphore, #tpu.memory_space<semaphore_mem>>) src(%arg10 : memref<128x128xf32, #tpu.memory_space<vmem>>) dst(%dma_wait3A_78 : memref<128x128xf32, #tpu.memory_space<vmem_shared>>)
        tpu.yield
      }) : () -> ()
      "tpu.region"() ({
        %run_scoped3A = tpu.sem_alloc : memref<!tpu.dma_semaphore, #tpu.memory_space<semaphore_mem>>
        %dma_start3A = arith.constant 0 : i32
        %dma_start3A_73 = tpu.memref_slice %arg16[%mul3A_72, %dma_start3A] : memref<10112x16xf32, #tpu.memory_space<vmem_shared>> -> memref<128x16xf32, #tpu.memory_space<vmem_shared>>
        %dma_start3A_74 = arith.constant 0 : i32
        %dma_start3A_75 = tpu.memref_slice %arg16[%mul3A_72, %dma_start3A_74] : memref<10112x16xf32, #tpu.memory_space<vmem_shared>> -> memref<128x16xf32, #tpu.memory_space<vmem_shared>>
        tpu.enqueue_dma source(%arg14 : memref<128x16xf32, #tpu.memory_space<vmem>>) target(%dma_start3A_75 : memref<128x16xf32, #tpu.memory_space<vmem_shared>>) target_semaphore(%run_scoped3A : memref<!tpu.dma_semaphore, #tpu.memory_space<semaphore_mem>>)
        %dma_wait3A = arith.constant 0 : i32
        %dma_wait3A_76 = tpu.memref_slice %arg16[%mul3A_72, %dma_wait3A] : memref<10112x16xf32, #tpu.memory_space<vmem_shared>> -> memref<128x16xf32, #tpu.memory_space<vmem_shared>>
        %dma_wait3A_77 = arith.constant 0 : i32
        %dma_wait3A_78 = tpu.memref_slice %arg16[%mul3A_72, %dma_wait3A_77] : memref<10112x16xf32, #tpu.memory_space<vmem_shared>> -> memref<128x16xf32, #tpu.memory_space<vmem_shared>>
        tpu.wait_dma2 semaphore(%run_scoped3A : memref<!tpu.dma_semaphore, #tpu.memory_space<semaphore_mem>>) src(%arg14 : memref<128x16xf32, #tpu.memory_space<vmem>>) dst(%dma_wait3A_78 : memref<128x16xf32, #tpu.memory_space<vmem_shared>>)
        tpu.yield
      }) : () -> ()
    } else {
    }
    %add3A_3 = arith.constant 16 : i32
    %add3A_4 = arith.addi %arg1, %add3A_3 : i32
    %lt3A_5 = arith.constant 79 : i32
    %lt3A_6 = arith.cmpi slt, %add3A_4, %lt3A_5 : i32
    %convert_element_type3A_7 = arith.extui %lt3A_6 : i1 to i32
    %cond3A_8 = arith.constant 0 : i32
    %cond3A_9 = arith.cmpi ne, %convert_element_type3A_7, %cond3A_8 : i32
    scf.if %cond3A_9 {
      %mul3A = arith.constant 128 : i32
      %mul3A_72 = arith.muli %add3A_4, %mul3A : i32
      "tpu.region"() ({
        %run_scoped3A = tpu.sem_alloc : memref<!tpu.dma_semaphore, #tpu.memory_space<semaphore_mem>>
        %dma_start3A = arith.constant 0 : i32
        %dma_start3A_73 = tpu.memref_slice %arg15[%mul3A_72, %dma_start3A] : memref<10112x128xf32, #tpu.memory_space<vmem_shared>> -> memref<128x128xf32, #tpu.memory_space<vmem_shared>>
        %dma_start3A_74 = arith.constant 0 : i32
        %dma_start3A_75 = tpu.memref_slice %arg15[%mul3A_72, %dma_start3A_74] : memref<10112x128xf32, #tpu.memory_space<vmem_shared>> -> memref<128x128xf32, #tpu.memory_space<vmem_shared>>
        tpu.enqueue_dma source(%arg10 : memref<128x128xf32, #tpu.memory_space<vmem>>) target(%dma_start3A_75 : memref<128x128xf32, #tpu.memory_space<vmem_shared>>) target_semaphore(%run_scoped3A : memref<!tpu.dma_semaphore, #tpu.memory_space<semaphore_mem>>)
        %dma_wait3A = arith.constant 0 : i32
        %dma_wait3A_76 = tpu.memref_slice %arg15[%mul3A_72, %dma_wait3A] : memref<10112x128xf32, #tpu.memory_space<vmem_shared>> -> memref<128x128xf32, #tpu.memory_space<vmem_shared>>
        %dma_wait3A_77 = arith.constant 0 : i32
        %dma_wait3A_78 = tpu.memref_slice %arg15[%mul3A_72, %dma_wait3A_77] : memref<10112x128xf32, #tpu.memory_space<vmem_shared>> -> memref<128x128xf32, #tpu.memory_space<vmem_shared>>
        tpu.wait_dma2 semaphore(%run_scoped3A : memref<!tpu.dma_semaphore, #tpu.memory_space<semaphore_mem>>) src(%arg10 : memref<128x128xf32, #tpu.memory_space<vmem>>) dst(%dma_wait3A_78 : memref<128x128xf32, #tpu.memory_space<vmem_shared>>)
        tpu.yield
      }) : () -> ()
      "tpu.region"() ({
        %run_scoped3A = tpu.sem_alloc : memref<!tpu.dma_semaphore, #tpu.memory_space<semaphore_mem>>
        %dma_start3A = arith.constant 0 : i32
        %dma_start3A_73 = tpu.memref_slice %arg16[%mul3A_72, %dma_start3A] : memref<10112x16xf32, #tpu.memory_space<vmem_shared>> -> memref<128x16xf32, #tpu.memory_space<vmem_shared>>
        %dma_start3A_74 = arith.constant 0 : i32
        %dma_start3A_75 = tpu.memref_slice %arg16[%mul3A_72, %dma_start3A_74] : memref<10112x16xf32, #tpu.memory_space<vmem_shared>> -> memref<128x16xf32, #tpu.memory_space<vmem_shared>>
        tpu.enqueue_dma source(%arg14 : memref<128x16xf32, #tpu.memory_space<vmem>>) target(%dma_start3A_75 : memref<128x16xf32, #tpu.memory_space<vmem_shared>>) target_semaphore(%run_scoped3A : memref<!tpu.dma_semaphore, #tpu.memory_space<semaphore_mem>>)
        %dma_wait3A = arith.constant 0 : i32
        %dma_wait3A_76 = tpu.memref_slice %arg16[%mul3A_72, %dma_wait3A] : memref<10112x16xf32, #tpu.memory_space<vmem_shared>> -> memref<128x16xf32, #tpu.memory_space<vmem_shared>>
        %dma_wait3A_77 = arith.constant 0 : i32
        %dma_wait3A_78 = tpu.memref_slice %arg16[%mul3A_72, %dma_wait3A_77] : memref<10112x16xf32, #tpu.memory_space<vmem_shared>> -> memref<128x16xf32, #tpu.memory_space<vmem_shared>>
        tpu.wait_dma2 semaphore(%run_scoped3A : memref<!tpu.dma_semaphore, #tpu.memory_space<semaphore_mem>>) src(%arg14 : memref<128x16xf32, #tpu.memory_space<vmem>>) dst(%dma_wait3A_78 : memref<128x16xf32, #tpu.memory_space<vmem_shared>>)
        tpu.yield
      }) : () -> ()
    } else {
    }
    %add3A_10 = arith.constant 32 : i32
    %add3A_11 = arith.addi %arg1, %add3A_10 : i32
    %lt3A_12 = arith.constant 79 : i32
    %lt3A_13 = arith.cmpi slt, %add3A_11, %lt3A_12 : i32
    %convert_element_type3A_14 = arith.extui %lt3A_13 : i1 to i32
    %cond3A_15 = arith.constant 0 : i32
    %cond3A_16 = arith.cmpi ne, %convert_element_type3A_14, %cond3A_15 : i32
    scf.if %cond3A_16 {
      %mul3A = arith.constant 128 : i32
      %mul3A_72 = arith.muli %add3A_11, %mul3A : i32
      "tpu.region"() ({
        %run_scoped3A = tpu.sem_alloc : memref<!tpu.dma_semaphore, #tpu.memory_space<semaphore_mem>>
        %dma_start3A = arith.constant 0 : i32
        %dma_start3A_73 = tpu.memref_slice %arg15[%mul3A_72, %dma_start3A] : memref<10112x128xf32, #tpu.memory_space<vmem_shared>> -> memref<128x128xf32, #tpu.memory_space<vmem_shared>>
        %dma_start3A_74 = arith.constant 0 : i32
        %dma_start3A_75 = tpu.memref_slice %arg15[%mul3A_72, %dma_start3A_74] : memref<10112x128xf32, #tpu.memory_space<vmem_shared>> -> memref<128x128xf32, #tpu.memory_space<vmem_shared>>
        tpu.enqueue_dma source(%arg10 : memref<128x128xf32, #tpu.memory_space<vmem>>) target(%dma_start3A_75 : memref<128x128xf32, #tpu.memory_space<vmem_shared>>) target_semaphore(%run_scoped3A : memref<!tpu.dma_semaphore, #tpu.memory_space<semaphore_mem>>)
        %dma_wait3A = arith.constant 0 : i32
        %dma_wait3A_76 = tpu.memref_slice %arg15[%mul3A_72, %dma_wait3A] : memref<10112x128xf32, #tpu.memory_space<vmem_shared>> -> memref<128x128xf32, #tpu.memory_space<vmem_shared>>
        %dma_wait3A_77 = arith.constant 0 : i32
        %dma_wait3A_78 = tpu.memref_slice %arg15[%mul3A_72, %dma_wait3A_77] : memref<10112x128xf32, #tpu.memory_space<vmem_shared>> -> memref<128x128xf32, #tpu.memory_space<vmem_shared>>
        tpu.wait_dma2 semaphore(%run_scoped3A : memref<!tpu.dma_semaphore, #tpu.memory_space<semaphore_mem>>) src(%arg10 : memref<128x128xf32, #tpu.memory_space<vmem>>) dst(%dma_wait3A_78 : memref<128x128xf32, #tpu.memory_space<vmem_shared>>)
        tpu.yield
      }) : () -> ()
      "tpu.region"() ({
        %run_scoped3A = tpu.sem_alloc : memref<!tpu.dma_semaphore, #tpu.memory_space<semaphore_mem>>
        %dma_start3A = arith.constant 0 : i32
        %dma_start3A_73 = tpu.memref_slice %arg16[%mul3A_72, %dma_start3A] : memref<10112x16xf32, #tpu.memory_space<vmem_shared>> -> memref<128x16xf32, #tpu.memory_space<vmem_shared>>
        %dma_start3A_74 = arith.constant 0 : i32
        %dma_start3A_75 = tpu.memref_slice %arg16[%mul3A_72, %dma_start3A_74] : memref<10112x16xf32, #tpu.memory_space<vmem_shared>> -> memref<128x16xf32, #tpu.memory_space<vmem_shared>>
        tpu.enqueue_dma source(%arg14 : memref<128x16xf32, #tpu.memory_space<vmem>>) target(%dma_start3A_75 : memref<128x16xf32, #tpu.memory_space<vmem_shared>>) target_semaphore(%run_scoped3A : memref<!tpu.dma_semaphore, #tpu.memory_space<semaphore_mem>>)
        %dma_wait3A = arith.constant 0 : i32
        %dma_wait3A_76 = tpu.memref_slice %arg16[%mul3A_72, %dma_wait3A] : memref<10112x16xf32, #tpu.memory_space<vmem_shared>> -> memref<128x16xf32, #tpu.memory_space<vmem_shared>>
        %dma_wait3A_77 = arith.constant 0 : i32
        %dma_wait3A_78 = tpu.memref_slice %arg16[%mul3A_72, %dma_wait3A_77] : memref<10112x16xf32, #tpu.memory_space<vmem_shared>> -> memref<128x16xf32, #tpu.memory_space<vmem_shared>>
        tpu.wait_dma2 semaphore(%run_scoped3A : memref<!tpu.dma_semaphore, #tpu.memory_space<semaphore_mem>>) src(%arg14 : memref<128x16xf32, #tpu.memory_space<vmem>>) dst(%dma_wait3A_78 : memref<128x16xf32, #tpu.memory_space<vmem_shared>>)
        tpu.yield
      }) : () -> ()
    } else {
    }
    %add3A_17 = arith.constant 48 : i32
    %add3A_18 = arith.addi %arg1, %add3A_17 : i32
    %lt3A_19 = arith.constant 79 : i32
    %lt3A_20 = arith.cmpi slt, %add3A_18, %lt3A_19 : i32
    %convert_element_type3A_21 = arith.extui %lt3A_20 : i1 to i32
    %cond3A_22 = arith.constant 0 : i32
    %cond3A_23 = arith.cmpi ne, %convert_element_type3A_21, %cond3A_22 : i32
    scf.if %cond3A_23 {
      %mul3A = arith.constant 128 : i32
      %mul3A_72 = arith.muli %add3A_18, %mul3A : i32
      "tpu.region"() ({
        %run_scoped3A = tpu.sem_alloc : memref<!tpu.dma_semaphore, #tpu.memory_space<semaphore_mem>>
        %dma_start3A = arith.constant 0 : i32
        %dma_start3A_73 = tpu.memref_slice %arg15[%mul3A_72, %dma_start3A] : memref<10112x128xf32, #tpu.memory_space<vmem_shared>> -> memref<128x128xf32, #tpu.memory_space<vmem_shared>>
        %dma_start3A_74 = arith.constant 0 : i32
        %dma_start3A_75 = tpu.memref_slice %arg15[%mul3A_72, %dma_start3A_74] : memref<10112x128xf32, #tpu.memory_space<vmem_shared>> -> memref<128x128xf32, #tpu.memory_space<vmem_shared>>
        tpu.enqueue_dma source(%arg10 : memref<128x128xf32, #tpu.memory_space<vmem>>) target(%dma_start3A_75 : memref<128x128xf32, #tpu.memory_space<vmem_shared>>) target_semaphore(%run_scoped3A : memref<!tpu.dma_semaphore, #tpu.memory_space<semaphore_mem>>)
        %dma_wait3A = arith.constant 0 : i32
        %dma_wait3A_76 = tpu.memref_slice %arg15[%mul3A_72, %dma_wait3A] : memref<10112x128xf32, #tpu.memory_space<vmem_shared>> -> memref<128x128xf32, #tpu.memory_space<vmem_shared>>
        %dma_wait3A_77 = arith.constant 0 : i32
        %dma_wait3A_78 = tpu.memref_slice %arg15[%mul3A_72, %dma_wait3A_77] : memref<10112x128xf32, #tpu.memory_space<vmem_shared>> -> memref<128x128xf32, #tpu.memory_space<vmem_shared>>
        tpu.wait_dma2 semaphore(%run_scoped3A : memref<!tpu.dma_semaphore, #tpu.memory_space<semaphore_mem>>) src(%arg10 : memref<128x128xf32, #tpu.memory_space<vmem>>) dst(%dma_wait3A_78 : memref<128x128xf32, #tpu.memory_space<vmem_shared>>)
        tpu.yield
      }) : () -> ()
      "tpu.region"() ({
        %run_scoped3A = tpu.sem_alloc : memref<!tpu.dma_semaphore, #tpu.memory_space<semaphore_mem>>
        %dma_start3A = arith.constant 0 : i32
        %dma_start3A_73 = tpu.memref_slice %arg16[%mul3A_72, %dma_start3A] : memref<10112x16xf32, #tpu.memory_space<vmem_shared>> -> memref<128x16xf32, #tpu.memory_space<vmem_shared>>
        %dma_start3A_74 = arith.constant 0 : i32
        %dma_start3A_75 = tpu.memref_slice %arg16[%mul3A_72, %dma_start3A_74] : memref<10112x16xf32, #tpu.memory_space<vmem_shared>> -> memref<128x16xf32, #tpu.memory_space<vmem_shared>>
        tpu.enqueue_dma source(%arg14 : memref<128x16xf32, #tpu.memory_space<vmem>>) target(%dma_start3A_75 : memref<128x16xf32, #tpu.memory_space<vmem_shared>>) target_semaphore(%run_scoped3A : memref<!tpu.dma_semaphore, #tpu.memory_space<semaphore_mem>>)
        %dma_wait3A = arith.constant 0 : i32
        %dma_wait3A_76 = tpu.memref_slice %arg16[%mul3A_72, %dma_wait3A] : memref<10112x16xf32, #tpu.memory_space<vmem_shared>> -> memref<128x16xf32, #tpu.memory_space<vmem_shared>>
        %dma_wait3A_77 = arith.constant 0 : i32
        %dma_wait3A_78 = tpu.memref_slice %arg16[%mul3A_72, %dma_wait3A_77] : memref<10112x16xf32, #tpu.memory_space<vmem_shared>> -> memref<128x16xf32, #tpu.memory_space<vmem_shared>>
        tpu.wait_dma2 semaphore(%run_scoped3A : memref<!tpu.dma_semaphore, #tpu.memory_space<semaphore_mem>>) src(%arg14 : memref<128x16xf32, #tpu.memory_space<vmem>>) dst(%dma_wait3A_78 : memref<128x16xf32, #tpu.memory_space<vmem_shared>>)
        tpu.yield
      }) : () -> ()
    } else {
    }
    %add3A_24 = arith.constant 64 : i32
    %add3A_25 = arith.addi %arg1, %add3A_24 : i32
    %lt3A_26 = arith.constant 79 : i32
    %lt3A_27 = arith.cmpi slt, %add3A_25, %lt3A_26 : i32
    %convert_element_type3A_28 = arith.extui %lt3A_27 : i1 to i32
    %cond3A_29 = arith.constant 0 : i32
    %cond3A_30 = arith.cmpi ne, %convert_element_type3A_28, %cond3A_29 : i32
    scf.if %cond3A_30 {
      %mul3A = arith.constant 128 : i32
      %mul3A_72 = arith.muli %add3A_25, %mul3A : i32
      "tpu.region"() ({
        %run_scoped3A = tpu.sem_alloc : memref<!tpu.dma_semaphore, #tpu.memory_space<semaphore_mem>>
        %dma_start3A = arith.constant 0 : i32
        %dma_start3A_73 = tpu.memref_slice %arg15[%mul3A_72, %dma_start3A] : memref<10112x128xf32, #tpu.memory_space<vmem_shared>> -> memref<128x128xf32, #tpu.memory_space<vmem_shared>>
        %dma_start3A_74 = arith.constant 0 : i32
        %dma_start3A_75 = tpu.memref_slice %arg15[%mul3A_72, %dma_start3A_74] : memref<10112x128xf32, #tpu.memory_space<vmem_shared>> -> memref<128x128xf32, #tpu.memory_space<vmem_shared>>
        tpu.enqueue_dma source(%arg10 : memref<128x128xf32, #tpu.memory_space<vmem>>) target(%dma_start3A_75 : memref<128x128xf32, #tpu.memory_space<vmem_shared>>) target_semaphore(%run_scoped3A : memref<!tpu.dma_semaphore, #tpu.memory_space<semaphore_mem>>)
        %dma_wait3A = arith.constant 0 : i32
        %dma_wait3A_76 = tpu.memref_slice %arg15[%mul3A_72, %dma_wait3A] : memref<10112x128xf32, #tpu.memory_space<vmem_shared>> -> memref<128x128xf32, #tpu.memory_space<vmem_shared>>
        %dma_wait3A_77 = arith.constant 0 : i32
        %dma_wait3A_78 = tpu.memref_slice %arg15[%mul3A_72, %dma_wait3A_77] : memref<10112x128xf32, #tpu.memory_space<vmem_shared>> -> memref<128x128xf32, #tpu.memory_space<vmem_shared>>
        tpu.wait_dma2 semaphore(%run_scoped3A : memref<!tpu.dma_semaphore, #tpu.memory_space<semaphore_mem>>) src(%arg10 : memref<128x128xf32, #tpu.memory_space<vmem>>) dst(%dma_wait3A_78 : memref<128x128xf32, #tpu.memory_space<vmem_shared>>)
        tpu.yield
      }) : () -> ()
      "tpu.region"() ({
        %run_scoped3A = tpu.sem_alloc : memref<!tpu.dma_semaphore, #tpu.memory_space<semaphore_mem>>
        %dma_start3A = arith.constant 0 : i32
        %dma_start3A_73 = tpu.memref_slice %arg16[%mul3A_72, %dma_start3A] : memref<10112x16xf32, #tpu.memory_space<vmem_shared>> -> memref<128x16xf32, #tpu.memory_space<vmem_shared>>
        %dma_start3A_74 = arith.constant 0 : i32
        %dma_start3A_75 = tpu.memref_slice %arg16[%mul3A_72, %dma_start3A_74] : memref<10112x16xf32, #tpu.memory_space<vmem_shared>> -> memref<128x16xf32, #tpu.memory_space<vmem_shared>>
        tpu.enqueue_dma source(%arg14 : memref<128x16xf32, #tpu.memory_space<vmem>>) target(%dma_start3A_75 : memref<128x16xf32, #tpu.memory_space<vmem_shared>>) target_semaphore(%run_scoped3A : memref<!tpu.dma_semaphore, #tpu.memory_space<semaphore_mem>>)
        %dma_wait3A = arith.constant 0 : i32
        %dma_wait3A_76 = tpu.memref_slice %arg16[%mul3A_72, %dma_wait3A] : memref<10112x16xf32, #tpu.memory_space<vmem_shared>> -> memref<128x16xf32, #tpu.memory_space<vmem_shared>>
        %dma_wait3A_77 = arith.constant 0 : i32
        %dma_wait3A_78 = tpu.memref_slice %arg16[%mul3A_72, %dma_wait3A_77] : memref<10112x16xf32, #tpu.memory_space<vmem_shared>> -> memref<128x16xf32, #tpu.memory_space<vmem_shared>>
        tpu.wait_dma2 semaphore(%run_scoped3A : memref<!tpu.dma_semaphore, #tpu.memory_space<semaphore_mem>>) src(%arg14 : memref<128x16xf32, #tpu.memory_space<vmem>>) dst(%dma_wait3A_78 : memref<128x16xf32, #tpu.memory_space<vmem_shared>>)
        tpu.yield
      }) : () -> ()
    } else {
    }
    "tpu.region"() ({
      %run_scoped3A = tpu.sem_alloc : memref<!tpu.dma_semaphore, #tpu.memory_space<semaphore_mem>>
      tpu.enqueue_dma source(%arg7 : memref<128x16xf32, #tpu.memory_space<hbm>>) target(%arg13 : memref<128x16xf32, #tpu.memory_space<vmem>>) target_semaphore(%run_scoped3A : memref<!tpu.dma_semaphore, #tpu.memory_space<semaphore_mem>>)
      tpu.wait_dma2 semaphore(%run_scoped3A : memref<!tpu.dma_semaphore, #tpu.memory_space<semaphore_mem>>) src(%arg7 : memref<128x16xf32, #tpu.memory_space<hbm>>) dst(%arg13 : memref<128x16xf32, #tpu.memory_space<vmem>>)
      tpu.yield
    }) : () -> ()
    %barrier3A = arith.constant 0 : index
    tpu.barrier barrier_id(%barrier3A)
    %scan3A = arith.constant 0 : i32
    %scan3A_31 = arith.constant 0 : i32
    %scan3A_32 = arith.constant 158 : i32
    %scan3A_33 = arith.addi %scan3A_31, %scan3A_32 : i32
    %scan3A_34 = arith.constant 1 : i32
    scf.for %scan3A_72 = %scan3A_31 to %scan3A_33 step %scan3A_34  : i32 {
      %mul3A = arith.constant 158 : i32
      %mul3A_73 = arith.muli %arg1, %mul3A : i32
      %add3A_74 = arith.addi %mul3A_73, %scan3A_72 : i32
      %mul3A_75 = arith.constant 128 : i32
      %mul3A_76 = arith.muli %add3A_74, %mul3A_75 : i32
      %run_scoped3A = arith.constant 0 : i32
      "tpu.region"() ({
        %run_scoped3A_84 = tpu.sem_alloc : memref<!tpu.dma_semaphore, #tpu.memory_space<semaphore_mem>>
        %dma_start3A = arith.constant 0 : i32
        %dma_start3A_85 = tpu.memref_slice %arg11[%run_scoped3A, %dma_start3A] : memref<1x128xi32, #tpu.memory_space<vmem>> -> memref<1x128xi32, #tpu.memory_space<vmem>>
        %dma_start3A_86 = tpu.memref_squeeze %dma_start3A_85 : memref<1x128xi32, #tpu.memory_space<vmem>> -> memref<128xi32, #tpu.memory_space<vmem>>
        %dma_start3A_87 = tpu.memref_slice %arg3[%mul3A_76] : memref<323584xi32, #tpu.memory_space<hbm>> -> memref<128xi32, #tpu.memory_space<hbm>>
        %dma_start3A_88 = arith.constant 0 : i32
        %dma_start3A_89 = tpu.memref_slice %arg11[%run_scoped3A, %dma_start3A_88] : memref<1x128xi32, #tpu.memory_space<vmem>> -> memref<1x128xi32, #tpu.memory_space<vmem>>
        %dma_start3A_90 = tpu.memref_squeeze %dma_start3A_89 : memref<1x128xi32, #tpu.memory_space<vmem>> -> memref<128xi32, #tpu.memory_space<vmem>>
        %dma_start3A_91 = tpu.memref_slice %arg3[%mul3A_76] : memref<323584xi32, #tpu.memory_space<hbm>> -> memref<128xi32, #tpu.memory_space<hbm>>
        tpu.enqueue_dma source(%dma_start3A_91 : memref<128xi32, #tpu.memory_space<hbm>>) target(%dma_start3A_90 : memref<128xi32, #tpu.memory_space<vmem>>) target_semaphore(%run_scoped3A_84 : memref<!tpu.dma_semaphore, #tpu.memory_space<semaphore_mem>>)
        %dma_wait3A = arith.constant 0 : i32
        %dma_wait3A_92 = tpu.memref_slice %arg11[%run_scoped3A, %dma_wait3A] : memref<1x128xi32, #tpu.memory_space<vmem>> -> memref<1x128xi32, #tpu.memory_space<vmem>>
        %dma_wait3A_93 = tpu.memref_squeeze %dma_wait3A_92 : memref<1x128xi32, #tpu.memory_space<vmem>> -> memref<128xi32, #tpu.memory_space<vmem>>
        %dma_wait3A_94 = tpu.memref_slice %arg3[%mul3A_76] : memref<323584xi32, #tpu.memory_space<hbm>> -> memref<128xi32, #tpu.memory_space<hbm>>
        %dma_wait3A_95 = arith.constant 0 : i32
        %dma_wait3A_96 = tpu.memref_slice %arg11[%run_scoped3A, %dma_wait3A_95] : memref<1x128xi32, #tpu.memory_space<vmem>> -> memref<1x128xi32, #tpu.memory_space<vmem>>
        %dma_wait3A_97 = tpu.memref_squeeze %dma_wait3A_96 : memref<1x128xi32, #tpu.memory_space<vmem>> -> memref<128xi32, #tpu.memory_space<vmem>>
        %dma_wait3A_98 = tpu.memref_slice %arg3[%mul3A_76] : memref<323584xi32, #tpu.memory_space<hbm>> -> memref<128xi32, #tpu.memory_space<hbm>>
        tpu.wait_dma2 semaphore(%run_scoped3A_84 : memref<!tpu.dma_semaphore, #tpu.memory_space<semaphore_mem>>) src(%dma_wait3A_98 : memref<128xi32, #tpu.memory_space<hbm>>) dst(%dma_wait3A_97 : memref<128xi32, #tpu.memory_space<vmem>>)
        tpu.yield
      }) : () -> ()
      %mul3A_77 = arith.constant 323584 : i32
      %mul3A_78 = arith.muli %arg0, %mul3A_77 : i32
      %add3A_79 = arith.addi %mul3A_78, %mul3A_76 : i32
      %run_scoped3A_80 = arith.constant 0 : i32
      "tpu.region"() ({
        %run_scoped3A_84 = tpu.sem_alloc : memref<!tpu.dma_semaphore, #tpu.memory_space<semaphore_mem>>
        %dma_start3A = arith.constant 0 : i32
        %dma_start3A_85 = tpu.memref_slice %arg12[%run_scoped3A_80, %dma_start3A] : memref<1x128xi32, #tpu.memory_space<vmem>> -> memref<1x128xi32, #tpu.memory_space<vmem>>
        %dma_start3A_86 = tpu.memref_squeeze %dma_start3A_85 : memref<1x128xi32, #tpu.memory_space<vmem>> -> memref<128xi32, #tpu.memory_space<vmem>>
        %dma_start3A_87 = tpu.memref_slice %arg4[%add3A_79] : memref<647168xi32, #tpu.memory_space<hbm>> -> memref<128xi32, #tpu.memory_space<hbm>>
        %dma_start3A_88 = arith.constant 0 : i32
        %dma_start3A_89 = tpu.memref_slice %arg12[%run_scoped3A_80, %dma_start3A_88] : memref<1x128xi32, #tpu.memory_space<vmem>> -> memref<1x128xi32, #tpu.memory_space<vmem>>
        %dma_start3A_90 = tpu.memref_squeeze %dma_start3A_89 : memref<1x128xi32, #tpu.memory_space<vmem>> -> memref<128xi32, #tpu.memory_space<vmem>>
        %dma_start3A_91 = tpu.memref_slice %arg4[%add3A_79] : memref<647168xi32, #tpu.memory_space<hbm>> -> memref<128xi32, #tpu.memory_space<hbm>>
        tpu.enqueue_dma source(%dma_start3A_91 : memref<128xi32, #tpu.memory_space<hbm>>) target(%dma_start3A_90 : memref<128xi32, #tpu.memory_space<vmem>>) target_semaphore(%run_scoped3A_84 : memref<!tpu.dma_semaphore, #tpu.memory_space<semaphore_mem>>)
        %dma_wait3A = arith.constant 0 : i32
        %dma_wait3A_92 = tpu.memref_slice %arg12[%run_scoped3A_80, %dma_wait3A] : memref<1x128xi32, #tpu.memory_space<vmem>> -> memref<1x128xi32, #tpu.memory_space<vmem>>
        %dma_wait3A_93 = tpu.memref_squeeze %dma_wait3A_92 : memref<1x128xi32, #tpu.memory_space<vmem>> -> memref<128xi32, #tpu.memory_space<vmem>>
        %dma_wait3A_94 = tpu.memref_slice %arg4[%add3A_79] : memref<647168xi32, #tpu.memory_space<hbm>> -> memref<128xi32, #tpu.memory_space<hbm>>
        %dma_wait3A_95 = arith.constant 0 : i32
        %dma_wait3A_96 = tpu.memref_slice %arg12[%run_scoped3A_80, %dma_wait3A_95] : memref<1x128xi32, #tpu.memory_space<vmem>> -> memref<1x128xi32, #tpu.memory_space<vmem>>
        %dma_wait3A_97 = tpu.memref_squeeze %dma_wait3A_96 : memref<1x128xi32, #tpu.memory_space<vmem>> -> memref<128xi32, #tpu.memory_space<vmem>>
        %dma_wait3A_98 = tpu.memref_slice %arg4[%add3A_79] : memref<647168xi32, #tpu.memory_space<hbm>> -> memref<128xi32, #tpu.memory_space<hbm>>
        tpu.wait_dma2 semaphore(%run_scoped3A_84 : memref<!tpu.dma_semaphore, #tpu.memory_space<semaphore_mem>>) src(%dma_wait3A_98 : memref<128xi32, #tpu.memory_space<hbm>>) dst(%dma_wait3A_97 : memref<128xi32, #tpu.memory_space<vmem>>)
        tpu.yield
      }) : () -> ()
      %run_scoped3A_81 = arith.constant 0 : i32
      "tpu.region"() ({
        %run_scoped3A_84 = tpu.sem_alloc : memref<!tpu.dma_semaphore, #tpu.memory_space<semaphore_mem>>
        %dma_start3A = arith.constant 0 : i32
        %dma_start3A_85 = tpu.memref_slice %arg11[%run_scoped3A_81, %dma_start3A] : memref<1x128xi32, #tpu.memory_space<vmem>> -> memref<1x128xi32, #tpu.memory_space<vmem>>
        %dma_start3A_86 = tpu.memref_squeeze %dma_start3A_85 : memref<1x128xi32, #tpu.memory_space<vmem>> -> memref<128xi32, #tpu.memory_space<vmem>>
        %dma_start3A_87 = arith.constant 0 : i32
        %dma_start3A_88 = arith.constant 0 : i32
        %dma_start3A_89 = tpu.memref_slice %arg2[%dma_start3A_87, %dma_start3A_88] : memref<10000x128xf32, #tpu.memory_space<hbm>> -> memref<10000x128xf32, #tpu.memory_space<hbm>>
        tpu.enqueue_indirect_dma source(%dma_start3A_89 : memref<10000x128xf32, #tpu.memory_space<hbm>>) target(%arg10 : memref<128x128xf32, #tpu.memory_space<vmem>>) offsets(%dma_start3A_86 : memref<128xi32, #tpu.memory_space<vmem>>) semaphore(%run_scoped3A_84 : memref<!tpu.dma_semaphore, #tpu.memory_space<semaphore_mem>>)
        %dma_wait3A = arith.constant 0 : i32
        %dma_wait3A_90 = tpu.memref_slice %arg11[%run_scoped3A_81, %dma_wait3A] : memref<1x128xi32, #tpu.memory_space<vmem>> -> memref<1x128xi32, #tpu.memory_space<vmem>>
        %dma_wait3A_91 = tpu.memref_squeeze %dma_wait3A_90 : memref<1x128xi32, #tpu.memory_space<vmem>> -> memref<128xi32, #tpu.memory_space<vmem>>
        %dma_wait3A_92 = arith.constant 0 : i32
        %dma_wait3A_93 = arith.constant 0 : i32
        %dma_wait3A_94 = tpu.memref_slice %arg2[%dma_wait3A_92, %dma_wait3A_93] : memref<10000x128xf32, #tpu.memory_space<hbm>> -> memref<10000x128xf32, #tpu.memory_space<hbm>>
        tpu.wait_indirect_dma semaphore(%run_scoped3A_84 : memref<!tpu.dma_semaphore, #tpu.memory_space<semaphore_mem>>) src(%dma_wait3A_94 : memref<10000x128xf32, #tpu.memory_space<hbm>>) dst(%arg10 : memref<128x128xf32, #tpu.memory_space<vmem>>)
        tpu.yield
      }) : () -> ()
      %run_scoped3A_82 = arith.constant 0 : i32
      "tpu.region"() ({
        %run_scoped3A_84 = tpu.sem_alloc : memref<!tpu.dma_semaphore, #tpu.memory_space<semaphore_mem>>
        %dma_start3A = arith.constant 0 : i32
        %dma_start3A_85 = tpu.memref_slice %arg12[%run_scoped3A_82, %dma_start3A] : memref<1x128xi32, #tpu.memory_space<vmem>> -> memref<1x128xi32, #tpu.memory_space<vmem>>
        %dma_start3A_86 = tpu.memref_squeeze %dma_start3A_85 : memref<1x128xi32, #tpu.memory_space<vmem>> -> memref<128xi32, #tpu.memory_space<vmem>>
        %dma_start3A_87 = arith.constant 0 : i32
        %dma_start3A_88 = arith.constant 0 : i32
        %dma_start3A_89 = tpu.memref_slice %arg15[%dma_start3A_87, %dma_start3A_88] : memref<10112x128xf32, #tpu.memory_space<vmem_shared>> -> memref<10112x128xf32, #tpu.memory_space<vmem_shared>>
        tpu.enqueue_indirect_dma source(%arg10 : memref<128x128xf32, #tpu.memory_space<vmem>>) target(%dma_start3A_89 : memref<10112x128xf32, #tpu.memory_space<vmem_shared>>) offsets(%dma_start3A_86 : memref<128xi32, #tpu.memory_space<vmem>>) semaphore(%run_scoped3A_84 : memref<!tpu.dma_semaphore, #tpu.memory_space<semaphore_mem>>) {add = true}
        %dma_wait3A = arith.constant 0 : i32
        %dma_wait3A_90 = tpu.memref_slice %arg12[%run_scoped3A_82, %dma_wait3A] : memref<1x128xi32, #tpu.memory_space<vmem>> -> memref<1x128xi32, #tpu.memory_space<vmem>>
        %dma_wait3A_91 = tpu.memref_squeeze %dma_wait3A_90 : memref<1x128xi32, #tpu.memory_space<vmem>> -> memref<128xi32, #tpu.memory_space<vmem>>
        %dma_wait3A_92 = arith.constant 0 : i32
        %dma_wait3A_93 = arith.constant 0 : i32
        %dma_wait3A_94 = tpu.memref_slice %arg15[%dma_wait3A_92, %dma_wait3A_93] : memref<10112x128xf32, #tpu.memory_space<vmem_shared>> -> memref<10112x128xf32, #tpu.memory_space<vmem_shared>>
        tpu.wait_indirect_dma semaphore(%run_scoped3A_84 : memref<!tpu.dma_semaphore, #tpu.memory_space<semaphore_mem>>) src(%arg10 : memref<128x128xf32, #tpu.memory_space<vmem>>) dst(%dma_wait3A_94 : memref<10112x128xf32, #tpu.memory_space<vmem_shared>>)
        tpu.yield
      }) : () -> ()
      %run_scoped3A_83 = arith.constant 0 : i32
      "tpu.region"() ({
        %run_scoped3A_84 = tpu.sem_alloc : memref<!tpu.dma_semaphore, #tpu.memory_space<semaphore_mem>>
        %dma_start3A = arith.constant 0 : i32
        %dma_start3A_85 = tpu.memref_slice %arg12[%run_scoped3A_83, %dma_start3A] : memref<1x128xi32, #tpu.memory_space<vmem>> -> memref<1x128xi32, #tpu.memory_space<vmem>>
        %dma_start3A_86 = tpu.memref_squeeze %dma_start3A_85 : memref<1x128xi32, #tpu.memory_space<vmem>> -> memref<128xi32, #tpu.memory_space<vmem>>
        %dma_start3A_87 = arith.constant 0 : i32
        %dma_start3A_88 = arith.constant 0 : i32
        %dma_start3A_89 = tpu.memref_slice %arg16[%dma_start3A_87, %dma_start3A_88] : memref<10112x16xf32, #tpu.memory_space<vmem_shared>> -> memref<10112x16xf32, #tpu.memory_space<vmem_shared>>
        tpu.enqueue_indirect_dma source(%arg13 : memref<128x16xf32, #tpu.memory_space<vmem>>) target(%dma_start3A_89 : memref<10112x16xf32, #tpu.memory_space<vmem_shared>>) offsets(%dma_start3A_86 : memref<128xi32, #tpu.memory_space<vmem>>) semaphore(%run_scoped3A_84 : memref<!tpu.dma_semaphore, #tpu.memory_space<semaphore_mem>>) {add = true}
        %dma_wait3A = arith.constant 0 : i32
        %dma_wait3A_90 = tpu.memref_slice %arg12[%run_scoped3A_83, %dma_wait3A] : memref<1x128xi32, #tpu.memory_space<vmem>> -> memref<1x128xi32, #tpu.memory_space<vmem>>
        %dma_wait3A_91 = tpu.memref_squeeze %dma_wait3A_90 : memref<1x128xi32, #tpu.memory_space<vmem>> -> memref<128xi32, #tpu.memory_space<vmem>>
        %dma_wait3A_92 = arith.constant 0 : i32
        %dma_wait3A_93 = arith.constant 0 : i32
        %dma_wait3A_94 = tpu.memref_slice %arg16[%dma_wait3A_92, %dma_wait3A_93] : memref<10112x16xf32, #tpu.memory_space<vmem_shared>> -> memref<10112x16xf32, #tpu.memory_space<vmem_shared>>
        tpu.wait_indirect_dma semaphore(%run_scoped3A_84 : memref<!tpu.dma_semaphore, #tpu.memory_space<semaphore_mem>>) src(%arg13 : memref<128x16xf32, #tpu.memory_space<vmem>>) dst(%dma_wait3A_94 : memref<10112x16xf32, #tpu.memory_space<vmem_shared>>)
        tpu.yield
      }) : () -> ()
    }
    %scan3A_35 = arith.constant 158 : i32
    %barrier3A_36 = arith.constant 0 : index
    tpu.barrier barrier_id(%barrier3A_36)
    %add3A_37 = arith.constant 0 : i32
    %add3A_38 = arith.addi %arg1, %add3A_37 : i32
    %lt3A_39 = arith.constant 79 : i32
    %lt3A_40 = arith.cmpi slt, %add3A_38, %lt3A_39 : i32
    %convert_element_type3A_41 = arith.extui %lt3A_40 : i1 to i32
    %cond3A_42 = arith.constant 0 : i32
    %cond3A_43 = arith.cmpi ne, %convert_element_type3A_41, %cond3A_42 : i32
    scf.if %cond3A_43 {
      %mul3A = arith.constant 128 : i32
      %mul3A_72 = arith.muli %add3A_38, %mul3A : i32
      "tpu.region"() ({
        %run_scoped3A = tpu.sem_alloc : memref<!tpu.dma_semaphore, #tpu.memory_space<semaphore_mem>>
        %dma_start3A = arith.constant 0 : i32
        %dma_start3A_73 = tpu.memref_slice %arg15[%mul3A_72, %dma_start3A] : memref<10112x128xf32, #tpu.memory_space<vmem_shared>> -> memref<128x128xf32, #tpu.memory_space<vmem_shared>>
        %dma_start3A_74 = arith.constant 0 : i32
        %dma_start3A_75 = tpu.memref_slice %arg15[%mul3A_72, %dma_start3A_74] : memref<10112x128xf32, #tpu.memory_space<vmem_shared>> -> memref<128x128xf32, #tpu.memory_space<vmem_shared>>
        tpu.enqueue_dma source(%dma_start3A_75 : memref<128x128xf32, #tpu.memory_space<vmem_shared>>) target(%arg10 : memref<128x128xf32, #tpu.memory_space<vmem>>) target_semaphore(%run_scoped3A : memref<!tpu.dma_semaphore, #tpu.memory_space<semaphore_mem>>)
        %dma_wait3A = arith.constant 0 : i32
        %dma_wait3A_76 = tpu.memref_slice %arg15[%mul3A_72, %dma_wait3A] : memref<10112x128xf32, #tpu.memory_space<vmem_shared>> -> memref<128x128xf32, #tpu.memory_space<vmem_shared>>
        %dma_wait3A_77 = arith.constant 0 : i32
        %dma_wait3A_78 = tpu.memref_slice %arg15[%mul3A_72, %dma_wait3A_77] : memref<10112x128xf32, #tpu.memory_space<vmem_shared>> -> memref<128x128xf32, #tpu.memory_space<vmem_shared>>
        tpu.wait_dma2 semaphore(%run_scoped3A : memref<!tpu.dma_semaphore, #tpu.memory_space<semaphore_mem>>) src(%dma_wait3A_78 : memref<128x128xf32, #tpu.memory_space<vmem_shared>>) dst(%arg10 : memref<128x128xf32, #tpu.memory_space<vmem>>)
        tpu.yield
      }) : () -> ()
      "tpu.region"() ({
        %run_scoped3A = tpu.sem_alloc : memref<!tpu.dma_semaphore, #tpu.memory_space<semaphore_mem>>
        %dma_start3A = arith.constant 0 : i32
        %dma_start3A_73 = tpu.memref_slice %arg8[%arg0, %mul3A_72, %dma_start3A] : memref<2x10112x128xf32, #tpu.memory_space<hbm>> -> memref<1x128x128xf32, #tpu.memory_space<hbm>>
        %dma_start3A_74 = tpu.memref_squeeze %dma_start3A_73 : memref<1x128x128xf32, #tpu.memory_space<hbm>> -> memref<128x128xf32, #tpu.memory_space<hbm>>
        %dma_start3A_75 = arith.constant 0 : i32
        %dma_start3A_76 = tpu.memref_slice %arg8[%arg0, %mul3A_72, %dma_start3A_75] : memref<2x10112x128xf32, #tpu.memory_space<hbm>> -> memref<1x128x128xf32, #tpu.memory_space<hbm>>
        %dma_start3A_77 = tpu.memref_squeeze %dma_start3A_76 : memref<1x128x128xf32, #tpu.memory_space<hbm>> -> memref<128x128xf32, #tpu.memory_space<hbm>>
        tpu.enqueue_dma source(%arg10 : memref<128x128xf32, #tpu.memory_space<vmem>>) target(%dma_start3A_77 : memref<128x128xf32, #tpu.memory_space<hbm>>) target_semaphore(%run_scoped3A : memref<!tpu.dma_semaphore, #tpu.memory_space<semaphore_mem>>)
        %dma_wait3A = arith.constant 0 : i32
        %dma_wait3A_78 = tpu.memref_slice %arg8[%arg0, %mul3A_72, %dma_wait3A] : memref<2x10112x128xf32, #tpu.memory_space<hbm>> -> memref<1x128x128xf32, #tpu.memory_space<hbm>>
        %dma_wait3A_79 = tpu.memref_squeeze %dma_wait3A_78 : memref<1x128x128xf32, #tpu.memory_space<hbm>> -> memref<128x128xf32, #tpu.memory_space<hbm>>
        %dma_wait3A_80 = arith.constant 0 : i32
        %dma_wait3A_81 = tpu.memref_slice %arg8[%arg0, %mul3A_72, %dma_wait3A_80] : memref<2x10112x128xf32, #tpu.memory_space<hbm>> -> memref<1x128x128xf32, #tpu.memory_space<hbm>>
        %dma_wait3A_82 = tpu.memref_squeeze %dma_wait3A_81 : memref<1x128x128xf32, #tpu.memory_space<hbm>> -> memref<128x128xf32, #tpu.memory_space<hbm>>
        tpu.wait_dma2 semaphore(%run_scoped3A : memref<!tpu.dma_semaphore, #tpu.memory_space<semaphore_mem>>) src(%arg10 : memref<128x128xf32, #tpu.memory_space<vmem>>) dst(%dma_wait3A_82 : memref<128x128xf32, #tpu.memory_space<hbm>>)
        tpu.yield
      }) : () -> ()
      "tpu.region"() ({
        %run_scoped3A = tpu.sem_alloc : memref<!tpu.dma_semaphore, #tpu.memory_space<semaphore_mem>>
        %dma_start3A = arith.constant 0 : i32
        %dma_start3A_73 = tpu.memref_slice %arg16[%mul3A_72, %dma_start3A] : memref<10112x16xf32, #tpu.memory_space<vmem_shared>> -> memref<128x16xf32, #tpu.memory_space<vmem_shared>>
        %dma_start3A_74 = arith.constant 0 : i32
        %dma_start3A_75 = tpu.memref_slice %arg16[%mul3A_72, %dma_start3A_74] : memref<10112x16xf32, #tpu.memory_space<vmem_shared>> -> memref<128x16xf32, #tpu.memory_space<vmem_shared>>
        tpu.enqueue_dma source(%dma_start3A_75 : memref<128x16xf32, #tpu.memory_space<vmem_shared>>) target(%arg14 : memref<128x16xf32, #tpu.memory_space<vmem>>) target_semaphore(%run_scoped3A : memref<!tpu.dma_semaphore, #tpu.memory_space<semaphore_mem>>)
        %dma_wait3A = arith.constant 0 : i32
        %dma_wait3A_76 = tpu.memref_slice %arg16[%mul3A_72, %dma_wait3A] : memref<10112x16xf32, #tpu.memory_space<vmem_shared>> -> memref<128x16xf32, #tpu.memory_space<vmem_shared>>
        %dma_wait3A_77 = arith.constant 0 : i32
        %dma_wait3A_78 = tpu.memref_slice %arg16[%mul3A_72, %dma_wait3A_77] : memref<10112x16xf32, #tpu.memory_space<vmem_shared>> -> memref<128x16xf32, #tpu.memory_space<vmem_shared>>
        tpu.wait_dma2 semaphore(%run_scoped3A : memref<!tpu.dma_semaphore, #tpu.memory_space<semaphore_mem>>) src(%dma_wait3A_78 : memref<128x16xf32, #tpu.memory_space<vmem_shared>>) dst(%arg14 : memref<128x16xf32, #tpu.memory_space<vmem>>)
        tpu.yield
      }) : () -> ()
      "tpu.region"() ({
        %run_scoped3A = tpu.sem_alloc : memref<!tpu.dma_semaphore, #tpu.memory_space<semaphore_mem>>
        %dma_start3A = arith.constant 0 : i32
        %dma_start3A_73 = tpu.memref_slice %arg9[%arg0, %mul3A_72, %dma_start3A] : memref<2x10112x16xf32, #tpu.memory_space<hbm>> -> memref<1x128x16xf32, #tpu.memory_space<hbm>>
        %dma_start3A_74 = tpu.memref_squeeze %dma_start3A_73 : memref<1x128x16xf32, #tpu.memory_space<hbm>> -> memref<128x16xf32, #tpu.memory_space<hbm>>
        %dma_start3A_75 = arith.constant 0 : i32
        %dma_start3A_76 = tpu.memref_slice %arg9[%arg0, %mul3A_72, %dma_start3A_75] : memref<2x10112x16xf32, #tpu.memory_space<hbm>> -> memref<1x128x16xf32, #tpu.memory_space<hbm>>
        %dma_start3A_77 = tpu.memref_squeeze %dma_start3A_76 : memref<1x128x16xf32, #tpu.memory_space<hbm>> -> memref<128x16xf32, #tpu.memory_space<hbm>>
        tpu.enqueue_dma source(%arg14 : memref<128x16xf32, #tpu.memory_space<vmem>>) target(%dma_start3A_77 : memref<128x16xf32, #tpu.memory_space<hbm>>) target_semaphore(%run_scoped3A : memref<!tpu.dma_semaphore, #tpu.memory_space<semaphore_mem>>)
        %dma_wait3A = arith.constant 0 : i32
        %dma_wait3A_78 = tpu.memref_slice %arg9[%arg0, %mul3A_72, %dma_wait3A] : memref<2x10112x16xf32, #tpu.memory_space<hbm>> -> memref<1x128x16xf32, #tpu.memory_space<hbm>>
        %dma_wait3A_79 = tpu.memref_squeeze %dma_wait3A_78 : memref<1x128x16xf32, #tpu.memory_space<hbm>> -> memref<128x16xf32, #tpu.memory_space<hbm>>
        %dma_wait3A_80 = arith.constant 0 : i32
        %dma_wait3A_81 = tpu.memref_slice %arg9[%arg0, %mul3A_72, %dma_wait3A_80] : memref<2x10112x16xf32, #tpu.memory_space<hbm>> -> memref<1x128x16xf32, #tpu.memory_space<hbm>>
        %dma_wait3A_82 = tpu.memref_squeeze %dma_wait3A_81 : memref<1x128x16xf32, #tpu.memory_space<hbm>> -> memref<128x16xf32, #tpu.memory_space<hbm>>
        tpu.wait_dma2 semaphore(%run_scoped3A : memref<!tpu.dma_semaphore, #tpu.memory_space<semaphore_mem>>) src(%arg14 : memref<128x16xf32, #tpu.memory_space<vmem>>) dst(%dma_wait3A_82 : memref<128x16xf32, #tpu.memory_space<hbm>>)
        tpu.yield
      }) : () -> ()
    } else {
    }
    %add3A_44 = arith.constant 16 : i32
    %add3A_45 = arith.addi %arg1, %add3A_44 : i32
    %lt3A_46 = arith.constant 79 : i32
    %lt3A_47 = arith.cmpi slt, %add3A_45, %lt3A_46 : i32
    %convert_element_type3A_48 = arith.extui %lt3A_47 : i1 to i32
    %cond3A_49 = arith.constant 0 : i32
    %cond3A_50 = arith.cmpi ne, %convert_element_type3A_48, %cond3A_49 : i32
    scf.if %cond3A_50 {
      %mul3A = arith.constant 128 : i32
      %mul3A_72 = arith.muli %add3A_45, %mul3A : i32
      "tpu.region"() ({
        %run_scoped3A = tpu.sem_alloc : memref<!tpu.dma_semaphore, #tpu.memory_space<semaphore_mem>>
        %dma_start3A = arith.constant 0 : i32
        %dma_start3A_73 = tpu.memref_slice %arg15[%mul3A_72, %dma_start3A] : memref<10112x128xf32, #tpu.memory_space<vmem_shared>> -> memref<128x128xf32, #tpu.memory_space<vmem_shared>>
        %dma_start3A_74 = arith.constant 0 : i32
        %dma_start3A_75 = tpu.memref_slice %arg15[%mul3A_72, %dma_start3A_74] : memref<10112x128xf32, #tpu.memory_space<vmem_shared>> -> memref<128x128xf32, #tpu.memory_space<vmem_shared>>
        tpu.enqueue_dma source(%dma_start3A_75 : memref<128x128xf32, #tpu.memory_space<vmem_shared>>) target(%arg10 : memref<128x128xf32, #tpu.memory_space<vmem>>) target_semaphore(%run_scoped3A : memref<!tpu.dma_semaphore, #tpu.memory_space<semaphore_mem>>)
        %dma_wait3A = arith.constant 0 : i32
        %dma_wait3A_76 = tpu.memref_slice %arg15[%mul3A_72, %dma_wait3A] : memref<10112x128xf32, #tpu.memory_space<vmem_shared>> -> memref<128x128xf32, #tpu.memory_space<vmem_shared>>
        %dma_wait3A_77 = arith.constant 0 : i32
        %dma_wait3A_78 = tpu.memref_slice %arg15[%mul3A_72, %dma_wait3A_77] : memref<10112x128xf32, #tpu.memory_space<vmem_shared>> -> memref<128x128xf32, #tpu.memory_space<vmem_shared>>
        tpu.wait_dma2 semaphore(%run_scoped3A : memref<!tpu.dma_semaphore, #tpu.memory_space<semaphore_mem>>) src(%dma_wait3A_78 : memref<128x128xf32, #tpu.memory_space<vmem_shared>>) dst(%arg10 : memref<128x128xf32, #tpu.memory_space<vmem>>)
        tpu.yield
      }) : () -> ()
      "tpu.region"() ({
        %run_scoped3A = tpu.sem_alloc : memref<!tpu.dma_semaphore, #tpu.memory_space<semaphore_mem>>
        %dma_start3A = arith.constant 0 : i32
        %dma_start3A_73 = tpu.memref_slice %arg8[%arg0, %mul3A_72, %dma_start3A] : memref<2x10112x128xf32, #tpu.memory_space<hbm>> -> memref<1x128x128xf32, #tpu.memory_space<hbm>>
        %dma_start3A_74 = tpu.memref_squeeze %dma_start3A_73 : memref<1x128x128xf32, #tpu.memory_space<hbm>> -> memref<128x128xf32, #tpu.memory_space<hbm>>
        %dma_start3A_75 = arith.constant 0 : i32
        %dma_start3A_76 = tpu.memref_slice %arg8[%arg0, %mul3A_72, %dma_start3A_75] : memref<2x10112x128xf32, #tpu.memory_space<hbm>> -> memref<1x128x128xf32, #tpu.memory_space<hbm>>
        %dma_start3A_77 = tpu.memref_squeeze %dma_start3A_76 : memref<1x128x128xf32, #tpu.memory_space<hbm>> -> memref<128x128xf32, #tpu.memory_space<hbm>>
        tpu.enqueue_dma source(%arg10 : memref<128x128xf32, #tpu.memory_space<vmem>>) target(%dma_start3A_77 : memref<128x128xf32, #tpu.memory_space<hbm>>) target_semaphore(%run_scoped3A : memref<!tpu.dma_semaphore, #tpu.memory_space<semaphore_mem>>)
        %dma_wait3A = arith.constant 0 : i32
        %dma_wait3A_78 = tpu.memref_slice %arg8[%arg0, %mul3A_72, %dma_wait3A] : memref<2x10112x128xf32, #tpu.memory_space<hbm>> -> memref<1x128x128xf32, #tpu.memory_space<hbm>>
        %dma_wait3A_79 = tpu.memref_squeeze %dma_wait3A_78 : memref<1x128x128xf32, #tpu.memory_space<hbm>> -> memref<128x128xf32, #tpu.memory_space<hbm>>
        %dma_wait3A_80 = arith.constant 0 : i32
        %dma_wait3A_81 = tpu.memref_slice %arg8[%arg0, %mul3A_72, %dma_wait3A_80] : memref<2x10112x128xf32, #tpu.memory_space<hbm>> -> memref<1x128x128xf32, #tpu.memory_space<hbm>>
        %dma_wait3A_82 = tpu.memref_squeeze %dma_wait3A_81 : memref<1x128x128xf32, #tpu.memory_space<hbm>> -> memref<128x128xf32, #tpu.memory_space<hbm>>
        tpu.wait_dma2 semaphore(%run_scoped3A : memref<!tpu.dma_semaphore, #tpu.memory_space<semaphore_mem>>) src(%arg10 : memref<128x128xf32, #tpu.memory_space<vmem>>) dst(%dma_wait3A_82 : memref<128x128xf32, #tpu.memory_space<hbm>>)
        tpu.yield
      }) : () -> ()
      "tpu.region"() ({
        %run_scoped3A = tpu.sem_alloc : memref<!tpu.dma_semaphore, #tpu.memory_space<semaphore_mem>>
        %dma_start3A = arith.constant 0 : i32
        %dma_start3A_73 = tpu.memref_slice %arg16[%mul3A_72, %dma_start3A] : memref<10112x16xf32, #tpu.memory_space<vmem_shared>> -> memref<128x16xf32, #tpu.memory_space<vmem_shared>>
        %dma_start3A_74 = arith.constant 0 : i32
        %dma_start3A_75 = tpu.memref_slice %arg16[%mul3A_72, %dma_start3A_74] : memref<10112x16xf32, #tpu.memory_space<vmem_shared>> -> memref<128x16xf32, #tpu.memory_space<vmem_shared>>
        tpu.enqueue_dma source(%dma_start3A_75 : memref<128x16xf32, #tpu.memory_space<vmem_shared>>) target(%arg14 : memref<128x16xf32, #tpu.memory_space<vmem>>) target_semaphore(%run_scoped3A : memref<!tpu.dma_semaphore, #tpu.memory_space<semaphore_mem>>)
        %dma_wait3A = arith.constant 0 : i32
        %dma_wait3A_76 = tpu.memref_slice %arg16[%mul3A_72, %dma_wait3A] : memref<10112x16xf32, #tpu.memory_space<vmem_shared>> -> memref<128x16xf32, #tpu.memory_space<vmem_shared>>
        %dma_wait3A_77 = arith.constant 0 : i32
        %dma_wait3A_78 = tpu.memref_slice %arg16[%mul3A_72, %dma_wait3A_77] : memref<10112x16xf32, #tpu.memory_space<vmem_shared>> -> memref<128x16xf32, #tpu.memory_space<vmem_shared>>
        tpu.wait_dma2 semaphore(%run_scoped3A : memref<!tpu.dma_semaphore, #tpu.memory_space<semaphore_mem>>) src(%dma_wait3A_78 : memref<128x16xf32, #tpu.memory_space<vmem_shared>>) dst(%arg14 : memref<128x16xf32, #tpu.memory_space<vmem>>)
        tpu.yield
      }) : () -> ()
      "tpu.region"() ({
        %run_scoped3A = tpu.sem_alloc : memref<!tpu.dma_semaphore, #tpu.memory_space<semaphore_mem>>
        %dma_start3A = arith.constant 0 : i32
        %dma_start3A_73 = tpu.memref_slice %arg9[%arg0, %mul3A_72, %dma_start3A] : memref<2x10112x16xf32, #tpu.memory_space<hbm>> -> memref<1x128x16xf32, #tpu.memory_space<hbm>>
        %dma_start3A_74 = tpu.memref_squeeze %dma_start3A_73 : memref<1x128x16xf32, #tpu.memory_space<hbm>> -> memref<128x16xf32, #tpu.memory_space<hbm>>
        %dma_start3A_75 = arith.constant 0 : i32
        %dma_start3A_76 = tpu.memref_slice %arg9[%arg0, %mul3A_72, %dma_start3A_75] : memref<2x10112x16xf32, #tpu.memory_space<hbm>> -> memref<1x128x16xf32, #tpu.memory_space<hbm>>
        %dma_start3A_77 = tpu.memref_squeeze %dma_start3A_76 : memref<1x128x16xf32, #tpu.memory_space<hbm>> -> memref<128x16xf32, #tpu.memory_space<hbm>>
        tpu.enqueue_dma source(%arg14 : memref<128x16xf32, #tpu.memory_space<vmem>>) target(%dma_start3A_77 : memref<128x16xf32, #tpu.memory_space<hbm>>) target_semaphore(%run_scoped3A : memref<!tpu.dma_semaphore, #tpu.memory_space<semaphore_mem>>)
        %dma_wait3A = arith.constant 0 : i32
        %dma_wait3A_78 = tpu.memref_slice %arg9[%arg0, %mul3A_72, %dma_wait3A] : memref<2x10112x16xf32, #tpu.memory_space<hbm>> -> memref<1x128x16xf32, #tpu.memory_space<hbm>>
        %dma_wait3A_79 = tpu.memref_squeeze %dma_wait3A_78 : memref<1x128x16xf32, #tpu.memory_space<hbm>> -> memref<128x16xf32, #tpu.memory_space<hbm>>
        %dma_wait3A_80 = arith.constant 0 : i32
        %dma_wait3A_81 = tpu.memref_slice %arg9[%arg0, %mul3A_72, %dma_wait3A_80] : memref<2x10112x16xf32, #tpu.memory_space<hbm>> -> memref<1x128x16xf32, #tpu.memory_space<hbm>>
        %dma_wait3A_82 = tpu.memref_squeeze %dma_wait3A_81 : memref<1x128x16xf32, #tpu.memory_space<hbm>> -> memref<128x16xf32, #tpu.memory_space<hbm>>
        tpu.wait_dma2 semaphore(%run_scoped3A : memref<!tpu.dma_semaphore, #tpu.memory_space<semaphore_mem>>) src(%arg14 : memref<128x16xf32, #tpu.memory_space<vmem>>) dst(%dma_wait3A_82 : memref<128x16xf32, #tpu.memory_space<hbm>>)
        tpu.yield
      }) : () -> ()
    } else {
    }
    %add3A_51 = arith.constant 32 : i32
    %add3A_52 = arith.addi %arg1, %add3A_51 : i32
    %lt3A_53 = arith.constant 79 : i32
    %lt3A_54 = arith.cmpi slt, %add3A_52, %lt3A_53 : i32
    %convert_element_type3A_55 = arith.extui %lt3A_54 : i1 to i32
    %cond3A_56 = arith.constant 0 : i32
    %cond3A_57 = arith.cmpi ne, %convert_element_type3A_55, %cond3A_56 : i32
    scf.if %cond3A_57 {
      %mul3A = arith.constant 128 : i32
      %mul3A_72 = arith.muli %add3A_52, %mul3A : i32
      "tpu.region"() ({
        %run_scoped3A = tpu.sem_alloc : memref<!tpu.dma_semaphore, #tpu.memory_space<semaphore_mem>>
        %dma_start3A = arith.constant 0 : i32
        %dma_start3A_73 = tpu.memref_slice %arg15[%mul3A_72, %dma_start3A] : memref<10112x128xf32, #tpu.memory_space<vmem_shared>> -> memref<128x128xf32, #tpu.memory_space<vmem_shared>>
        %dma_start3A_74 = arith.constant 0 : i32
        %dma_start3A_75 = tpu.memref_slice %arg15[%mul3A_72, %dma_start3A_74] : memref<10112x128xf32, #tpu.memory_space<vmem_shared>> -> memref<128x128xf32, #tpu.memory_space<vmem_shared>>
        tpu.enqueue_dma source(%dma_start3A_75 : memref<128x128xf32, #tpu.memory_space<vmem_shared>>) target(%arg10 : memref<128x128xf32, #tpu.memory_space<vmem>>) target_semaphore(%run_scoped3A : memref<!tpu.dma_semaphore, #tpu.memory_space<semaphore_mem>>)
        %dma_wait3A = arith.constant 0 : i32
        %dma_wait3A_76 = tpu.memref_slice %arg15[%mul3A_72, %dma_wait3A] : memref<10112x128xf32, #tpu.memory_space<vmem_shared>> -> memref<128x128xf32, #tpu.memory_space<vmem_shared>>
        %dma_wait3A_77 = arith.constant 0 : i32
        %dma_wait3A_78 = tpu.memref_slice %arg15[%mul3A_72, %dma_wait3A_77] : memref<10112x128xf32, #tpu.memory_space<vmem_shared>> -> memref<128x128xf32, #tpu.memory_space<vmem_shared>>
        tpu.wait_dma2 semaphore(%run_scoped3A : memref<!tpu.dma_semaphore, #tpu.memory_space<semaphore_mem>>) src(%dma_wait3A_78 : memref<128x128xf32, #tpu.memory_space<vmem_shared>>) dst(%arg10 : memref<128x128xf32, #tpu.memory_space<vmem>>)
        tpu.yield
      }) : () -> ()
      "tpu.region"() ({
        %run_scoped3A = tpu.sem_alloc : memref<!tpu.dma_semaphore, #tpu.memory_space<semaphore_mem>>
        %dma_start3A = arith.constant 0 : i32
        %dma_start3A_73 = tpu.memref_slice %arg8[%arg0, %mul3A_72, %dma_start3A] : memref<2x10112x128xf32, #tpu.memory_space<hbm>> -> memref<1x128x128xf32, #tpu.memory_space<hbm>>
        %dma_start3A_74 = tpu.memref_squeeze %dma_start3A_73 : memref<1x128x128xf32, #tpu.memory_space<hbm>> -> memref<128x128xf32, #tpu.memory_space<hbm>>
        %dma_start3A_75 = arith.constant 0 : i32
        %dma_start3A_76 = tpu.memref_slice %arg8[%arg0, %mul3A_72, %dma_start3A_75] : memref<2x10112x128xf32, #tpu.memory_space<hbm>> -> memref<1x128x128xf32, #tpu.memory_space<hbm>>
        %dma_start3A_77 = tpu.memref_squeeze %dma_start3A_76 : memref<1x128x128xf32, #tpu.memory_space<hbm>> -> memref<128x128xf32, #tpu.memory_space<hbm>>
        tpu.enqueue_dma source(%arg10 : memref<128x128xf32, #tpu.memory_space<vmem>>) target(%dma_start3A_77 : memref<128x128xf32, #tpu.memory_space<hbm>>) target_semaphore(%run_scoped3A : memref<!tpu.dma_semaphore, #tpu.memory_space<semaphore_mem>>)
        %dma_wait3A = arith.constant 0 : i32
        %dma_wait3A_78 = tpu.memref_slice %arg8[%arg0, %mul3A_72, %dma_wait3A] : memref<2x10112x128xf32, #tpu.memory_space<hbm>> -> memref<1x128x128xf32, #tpu.memory_space<hbm>>
        %dma_wait3A_79 = tpu.memref_squeeze %dma_wait3A_78 : memref<1x128x128xf32, #tpu.memory_space<hbm>> -> memref<128x128xf32, #tpu.memory_space<hbm>>
        %dma_wait3A_80 = arith.constant 0 : i32
        %dma_wait3A_81 = tpu.memref_slice %arg8[%arg0, %mul3A_72, %dma_wait3A_80] : memref<2x10112x128xf32, #tpu.memory_space<hbm>> -> memref<1x128x128xf32, #tpu.memory_space<hbm>>
        %dma_wait3A_82 = tpu.memref_squeeze %dma_wait3A_81 : memref<1x128x128xf32, #tpu.memory_space<hbm>> -> memref<128x128xf32, #tpu.memory_space<hbm>>
        tpu.wait_dma2 semaphore(%run_scoped3A : memref<!tpu.dma_semaphore, #tpu.memory_space<semaphore_mem>>) src(%arg10 : memref<128x128xf32, #tpu.memory_space<vmem>>) dst(%dma_wait3A_82 : memref<128x128xf32, #tpu.memory_space<hbm>>)
        tpu.yield
      }) : () -> ()
      "tpu.region"() ({
        %run_scoped3A = tpu.sem_alloc : memref<!tpu.dma_semaphore, #tpu.memory_space<semaphore_mem>>
        %dma_start3A = arith.constant 0 : i32
        %dma_start3A_73 = tpu.memref_slice %arg16[%mul3A_72, %dma_start3A] : memref<10112x16xf32, #tpu.memory_space<vmem_shared>> -> memref<128x16xf32, #tpu.memory_space<vmem_shared>>
        %dma_start3A_74 = arith.constant 0 : i32
        %dma_start3A_75 = tpu.memref_slice %arg16[%mul3A_72, %dma_start3A_74] : memref<10112x16xf32, #tpu.memory_space<vmem_shared>> -> memref<128x16xf32, #tpu.memory_space<vmem_shared>>
        tpu.enqueue_dma source(%dma_start3A_75 : memref<128x16xf32, #tpu.memory_space<vmem_shared>>) target(%arg14 : memref<128x16xf32, #tpu.memory_space<vmem>>) target_semaphore(%run_scoped3A : memref<!tpu.dma_semaphore, #tpu.memory_space<semaphore_mem>>)
        %dma_wait3A = arith.constant 0 : i32
        %dma_wait3A_76 = tpu.memref_slice %arg16[%mul3A_72, %dma_wait3A] : memref<10112x16xf32, #tpu.memory_space<vmem_shared>> -> memref<128x16xf32, #tpu.memory_space<vmem_shared>>
        %dma_wait3A_77 = arith.constant 0 : i32
        %dma_wait3A_78 = tpu.memref_slice %arg16[%mul3A_72, %dma_wait3A_77] : memref<10112x16xf32, #tpu.memory_space<vmem_shared>> -> memref<128x16xf32, #tpu.memory_space<vmem_shared>>
        tpu.wait_dma2 semaphore(%run_scoped3A : memref<!tpu.dma_semaphore, #tpu.memory_space<semaphore_mem>>) src(%dma_wait3A_78 : memref<128x16xf32, #tpu.memory_space<vmem_shared>>) dst(%arg14 : memref<128x16xf32, #tpu.memory_space<vmem>>)
        tpu.yield
      }) : () -> ()
      "tpu.region"() ({
        %run_scoped3A = tpu.sem_alloc : memref<!tpu.dma_semaphore, #tpu.memory_space<semaphore_mem>>
        %dma_start3A = arith.constant 0 : i32
        %dma_start3A_73 = tpu.memref_slice %arg9[%arg0, %mul3A_72, %dma_start3A] : memref<2x10112x16xf32, #tpu.memory_space<hbm>> -> memref<1x128x16xf32, #tpu.memory_space<hbm>>
        %dma_start3A_74 = tpu.memref_squeeze %dma_start3A_73 : memref<1x128x16xf32, #tpu.memory_space<hbm>> -> memref<128x16xf32, #tpu.memory_space<hbm>>
        %dma_start3A_75 = arith.constant 0 : i32
        %dma_start3A_76 = tpu.memref_slice %arg9[%arg0, %mul3A_72, %dma_start3A_75] : memref<2x10112x16xf32, #tpu.memory_space<hbm>> -> memref<1x128x16xf32, #tpu.memory_space<hbm>>
        %dma_start3A_77 = tpu.memref_squeeze %dma_start3A_76 : memref<1x128x16xf32, #tpu.memory_space<hbm>> -> memref<128x16xf32, #tpu.memory_space<hbm>>
        tpu.enqueue_dma source(%arg14 : memref<128x16xf32, #tpu.memory_space<vmem>>) target(%dma_start3A_77 : memref<128x16xf32, #tpu.memory_space<hbm>>) target_semaphore(%run_scoped3A : memref<!tpu.dma_semaphore, #tpu.memory_space<semaphore_mem>>)
        %dma_wait3A = arith.constant 0 : i32
        %dma_wait3A_78 = tpu.memref_slice %arg9[%arg0, %mul3A_72, %dma_wait3A] : memref<2x10112x16xf32, #tpu.memory_space<hbm>> -> memref<1x128x16xf32, #tpu.memory_space<hbm>>
        %dma_wait3A_79 = tpu.memref_squeeze %dma_wait3A_78 : memref<1x128x16xf32, #tpu.memory_space<hbm>> -> memref<128x16xf32, #tpu.memory_space<hbm>>
        %dma_wait3A_80 = arith.constant 0 : i32
        %dma_wait3A_81 = tpu.memref_slice %arg9[%arg0, %mul3A_72, %dma_wait3A_80] : memref<2x10112x16xf32, #tpu.memory_space<hbm>> -> memref<1x128x16xf32, #tpu.memory_space<hbm>>
        %dma_wait3A_82 = tpu.memref_squeeze %dma_wait3A_81 : memref<1x128x16xf32, #tpu.memory_space<hbm>> -> memref<128x16xf32, #tpu.memory_space<hbm>>
        tpu.wait_dma2 semaphore(%run_scoped3A : memref<!tpu.dma_semaphore, #tpu.memory_space<semaphore_mem>>) src(%arg14 : memref<128x16xf32, #tpu.memory_space<vmem>>) dst(%dma_wait3A_82 : memref<128x16xf32, #tpu.memory_space<hbm>>)
        tpu.yield
      }) : () -> ()
    } else {
    }
    %add3A_58 = arith.constant 48 : i32
    %add3A_59 = arith.addi %arg1, %add3A_58 : i32
    %lt3A_60 = arith.constant 79 : i32
    %lt3A_61 = arith.cmpi slt, %add3A_59, %lt3A_60 : i32
    %convert_element_type3A_62 = arith.extui %lt3A_61 : i1 to i32
    %cond3A_63 = arith.constant 0 : i32
    %cond3A_64 = arith.cmpi ne, %convert_element_type3A_62, %cond3A_63 : i32
    scf.if %cond3A_64 {
      %mul3A = arith.constant 128 : i32
      %mul3A_72 = arith.muli %add3A_59, %mul3A : i32
      "tpu.region"() ({
        %run_scoped3A = tpu.sem_alloc : memref<!tpu.dma_semaphore, #tpu.memory_space<semaphore_mem>>
        %dma_start3A = arith.constant 0 : i32
        %dma_start3A_73 = tpu.memref_slice %arg15[%mul3A_72, %dma_start3A] : memref<10112x128xf32, #tpu.memory_space<vmem_shared>> -> memref<128x128xf32, #tpu.memory_space<vmem_shared>>
        %dma_start3A_74 = arith.constant 0 : i32
        %dma_start3A_75 = tpu.memref_slice %arg15[%mul3A_72, %dma_start3A_74] : memref<10112x128xf32, #tpu.memory_space<vmem_shared>> -> memref<128x128xf32, #tpu.memory_space<vmem_shared>>
        tpu.enqueue_dma source(%dma_start3A_75 : memref<128x128xf32, #tpu.memory_space<vmem_shared>>) target(%arg10 : memref<128x128xf32, #tpu.memory_space<vmem>>) target_semaphore(%run_scoped3A : memref<!tpu.dma_semaphore, #tpu.memory_space<semaphore_mem>>)
        %dma_wait3A = arith.constant 0 : i32
        %dma_wait3A_76 = tpu.memref_slice %arg15[%mul3A_72, %dma_wait3A] : memref<10112x128xf32, #tpu.memory_space<vmem_shared>> -> memref<128x128xf32, #tpu.memory_space<vmem_shared>>
        %dma_wait3A_77 = arith.constant 0 : i32
        %dma_wait3A_78 = tpu.memref_slice %arg15[%mul3A_72, %dma_wait3A_77] : memref<10112x128xf32, #tpu.memory_space<vmem_shared>> -> memref<128x128xf32, #tpu.memory_space<vmem_shared>>
        tpu.wait_dma2 semaphore(%run_scoped3A : memref<!tpu.dma_semaphore, #tpu.memory_space<semaphore_mem>>) src(%dma_wait3A_78 : memref<128x128xf32, #tpu.memory_space<vmem_shared>>) dst(%arg10 : memref<128x128xf32, #tpu.memory_space<vmem>>)
        tpu.yield
      }) : () -> ()
      "tpu.region"() ({
        %run_scoped3A = tpu.sem_alloc : memref<!tpu.dma_semaphore, #tpu.memory_space<semaphore_mem>>
        %dma_start3A = arith.constant 0 : i32
        %dma_start3A_73 = tpu.memref_slice %arg8[%arg0, %mul3A_72, %dma_start3A] : memref<2x10112x128xf32, #tpu.memory_space<hbm>> -> memref<1x128x128xf32, #tpu.memory_space<hbm>>
        %dma_start3A_74 = tpu.memref_squeeze %dma_start3A_73 : memref<1x128x128xf32, #tpu.memory_space<hbm>> -> memref<128x128xf32, #tpu.memory_space<hbm>>
        %dma_start3A_75 = arith.constant 0 : i32
        %dma_start3A_76 = tpu.memref_slice %arg8[%arg0, %mul3A_72, %dma_start3A_75] : memref<2x10112x128xf32, #tpu.memory_space<hbm>> -> memref<1x128x128xf32, #tpu.memory_space<hbm>>
        %dma_start3A_77 = tpu.memref_squeeze %dma_start3A_76 : memref<1x128x128xf32, #tpu.memory_space<hbm>> -> memref<128x128xf32, #tpu.memory_space<hbm>>
        tpu.enqueue_dma source(%arg10 : memref<128x128xf32, #tpu.memory_space<vmem>>) target(%dma_start3A_77 : memref<128x128xf32, #tpu.memory_space<hbm>>) target_semaphore(%run_scoped3A : memref<!tpu.dma_semaphore, #tpu.memory_space<semaphore_mem>>)
        %dma_wait3A = arith.constant 0 : i32
        %dma_wait3A_78 = tpu.memref_slice %arg8[%arg0, %mul3A_72, %dma_wait3A] : memref<2x10112x128xf32, #tpu.memory_space<hbm>> -> memref<1x128x128xf32, #tpu.memory_space<hbm>>
        %dma_wait3A_79 = tpu.memref_squeeze %dma_wait3A_78 : memref<1x128x128xf32, #tpu.memory_space<hbm>> -> memref<128x128xf32, #tpu.memory_space<hbm>>
        %dma_wait3A_80 = arith.constant 0 : i32
        %dma_wait3A_81 = tpu.memref_slice %arg8[%arg0, %mul3A_72, %dma_wait3A_80] : memref<2x10112x128xf32, #tpu.memory_space<hbm>> -> memref<1x128x128xf32, #tpu.memory_space<hbm>>
        %dma_wait3A_82 = tpu.memref_squeeze %dma_wait3A_81 : memref<1x128x128xf32, #tpu.memory_space<hbm>> -> memref<128x128xf32, #tpu.memory_space<hbm>>
        tpu.wait_dma2 semaphore(%run_scoped3A : memref<!tpu.dma_semaphore, #tpu.memory_space<semaphore_mem>>) src(%arg10 : memref<128x128xf32, #tpu.memory_space<vmem>>) dst(%dma_wait3A_82 : memref<128x128xf32, #tpu.memory_space<hbm>>)
        tpu.yield
      }) : () -> ()
      "tpu.region"() ({
        %run_scoped3A = tpu.sem_alloc : memref<!tpu.dma_semaphore, #tpu.memory_space<semaphore_mem>>
        %dma_start3A = arith.constant 0 : i32
        %dma_start3A_73 = tpu.memref_slice %arg16[%mul3A_72, %dma_start3A] : memref<10112x16xf32, #tpu.memory_space<vmem_shared>> -> memref<128x16xf32, #tpu.memory_space<vmem_shared>>
        %dma_start3A_74 = arith.constant 0 : i32
        %dma_start3A_75 = tpu.memref_slice %arg16[%mul3A_72, %dma_start3A_74] : memref<10112x16xf32, #tpu.memory_space<vmem_shared>> -> memref<128x16xf32, #tpu.memory_space<vmem_shared>>
        tpu.enqueue_dma source(%dma_start3A_75 : memref<128x16xf32, #tpu.memory_space<vmem_shared>>) target(%arg14 : memref<128x16xf32, #tpu.memory_space<vmem>>) target_semaphore(%run_scoped3A : memref<!tpu.dma_semaphore, #tpu.memory_space<semaphore_mem>>)
        %dma_wait3A = arith.constant 0 : i32
        %dma_wait3A_76 = tpu.memref_slice %arg16[%mul3A_72, %dma_wait3A] : memref<10112x16xf32, #tpu.memory_space<vmem_shared>> -> memref<128x16xf32, #tpu.memory_space<vmem_shared>>
        %dma_wait3A_77 = arith.constant 0 : i32
        %dma_wait3A_78 = tpu.memref_slice %arg16[%mul3A_72, %dma_wait3A_77] : memref<10112x16xf32, #tpu.memory_space<vmem_shared>> -> memref<128x16xf32, #tpu.memory_space<vmem_shared>>
        tpu.wait_dma2 semaphore(%run_scoped3A : memref<!tpu.dma_semaphore, #tpu.memory_space<semaphore_mem>>) src(%dma_wait3A_78 : memref<128x16xf32, #tpu.memory_space<vmem_shared>>) dst(%arg14 : memref<128x16xf32, #tpu.memory_space<vmem>>)
        tpu.yield
      }) : () -> ()
      "tpu.region"() ({
        %run_scoped3A = tpu.sem_alloc : memref<!tpu.dma_semaphore, #tpu.memory_space<semaphore_mem>>
        %dma_start3A = arith.constant 0 : i32
        %dma_start3A_73 = tpu.memref_slice %arg9[%arg0, %mul3A_72, %dma_start3A] : memref<2x10112x16xf32, #tpu.memory_space<hbm>> -> memref<1x128x16xf32, #tpu.memory_space<hbm>>
        %dma_start3A_74 = tpu.memref_squeeze %dma_start3A_73 : memref<1x128x16xf32, #tpu.memory_space<hbm>> -> memref<128x16xf32, #tpu.memory_space<hbm>>
        %dma_start3A_75 = arith.constant 0 : i32
        %dma_start3A_76 = tpu.memref_slice %arg9[%arg0, %mul3A_72, %dma_start3A_75] : memref<2x10112x16xf32, #tpu.memory_space<hbm>> -> memref<1x128x16xf32, #tpu.memory_space<hbm>>
        %dma_start3A_77 = tpu.memref_squeeze %dma_start3A_76 : memref<1x128x16xf32, #tpu.memory_space<hbm>> -> memref<128x16xf32, #tpu.memory_space<hbm>>
        tpu.enqueue_dma source(%arg14 : memref<128x16xf32, #tpu.memory_space<vmem>>) target(%dma_start3A_77 : memref<128x16xf32, #tpu.memory_space<hbm>>) target_semaphore(%run_scoped3A : memref<!tpu.dma_semaphore, #tpu.memory_space<semaphore_mem>>)
        %dma_wait3A = arith.constant 0 : i32
        %dma_wait3A_78 = tpu.memref_slice %arg9[%arg0, %mul3A_72, %dma_wait3A] : memref<2x10112x16xf32, #tpu.memory_space<hbm>> -> memref<1x128x16xf32, #tpu.memory_space<hbm>>
        %dma_wait3A_79 = tpu.memref_squeeze %dma_wait3A_78 : memref<1x128x16xf32, #tpu.memory_space<hbm>> -> memref<128x16xf32, #tpu.memory_space<hbm>>
        %dma_wait3A_80 = arith.constant 0 : i32
        %dma_wait3A_81 = tpu.memref_slice %arg9[%arg0, %mul3A_72, %dma_wait3A_80] : memref<2x10112x16xf32, #tpu.memory_space<hbm>> -> memref<1x128x16xf32, #tpu.memory_space<hbm>>
        %dma_wait3A_82 = tpu.memref_squeeze %dma_wait3A_81 : memref<1x128x16xf32, #tpu.memory_space<hbm>> -> memref<128x16xf32, #tpu.memory_space<hbm>>
        tpu.wait_dma2 semaphore(%run_scoped3A : memref<!tpu.dma_semaphore, #tpu.memory_space<semaphore_mem>>) src(%arg14 : memref<128x16xf32, #tpu.memory_space<vmem>>) dst(%dma_wait3A_82 : memref<128x16xf32, #tpu.memory_space<hbm>>)
        tpu.yield
      }) : () -> ()
    } else {
    }
    %add3A_65 = arith.constant 64 : i32
    %add3A_66 = arith.addi %arg1, %add3A_65 : i32
    %lt3A_67 = arith.constant 79 : i32
    %lt3A_68 = arith.cmpi slt, %add3A_66, %lt3A_67 : i32
    %convert_element_type3A_69 = arith.extui %lt3A_68 : i1 to i32
    %cond3A_70 = arith.constant 0 : i32
    %cond3A_71 = arith.cmpi ne, %convert_element_type3A_69, %cond3A_70 : i32
    scf.if %cond3A_71 {
      %mul3A = arith.constant 128 : i32
      %mul3A_72 = arith.muli %add3A_66, %mul3A : i32
      "tpu.region"() ({
        %run_scoped3A = tpu.sem_alloc : memref<!tpu.dma_semaphore, #tpu.memory_space<semaphore_mem>>
        %dma_start3A = arith.constant 0 : i32
        %dma_start3A_73 = tpu.memref_slice %arg15[%mul3A_72, %dma_start3A] : memref<10112x128xf32, #tpu.memory_space<vmem_shared>> -> memref<128x128xf32, #tpu.memory_space<vmem_shared>>
        %dma_start3A_74 = arith.constant 0 : i32
        %dma_start3A_75 = tpu.memref_slice %arg15[%mul3A_72, %dma_start3A_74] : memref<10112x128xf32, #tpu.memory_space<vmem_shared>> -> memref<128x128xf32, #tpu.memory_space<vmem_shared>>
        tpu.enqueue_dma source(%dma_start3A_75 : memref<128x128xf32, #tpu.memory_space<vmem_shared>>) target(%arg10 : memref<128x128xf32, #tpu.memory_space<vmem>>) target_semaphore(%run_scoped3A : memref<!tpu.dma_semaphore, #tpu.memory_space<semaphore_mem>>)
        %dma_wait3A = arith.constant 0 : i32
        %dma_wait3A_76 = tpu.memref_slice %arg15[%mul3A_72, %dma_wait3A] : memref<10112x128xf32, #tpu.memory_space<vmem_shared>> -> memref<128x128xf32, #tpu.memory_space<vmem_shared>>
        %dma_wait3A_77 = arith.constant 0 : i32
        %dma_wait3A_78 = tpu.memref_slice %arg15[%mul3A_72, %dma_wait3A_77] : memref<10112x128xf32, #tpu.memory_space<vmem_shared>> -> memref<128x128xf32, #tpu.memory_space<vmem_shared>>
        tpu.wait_dma2 semaphore(%run_scoped3A : memref<!tpu.dma_semaphore, #tpu.memory_space<semaphore_mem>>) src(%dma_wait3A_78 : memref<128x128xf32, #tpu.memory_space<vmem_shared>>) dst(%arg10 : memref<128x128xf32, #tpu.memory_space<vmem>>)
        tpu.yield
      }) : () -> ()
      "tpu.region"() ({
        %run_scoped3A = tpu.sem_alloc : memref<!tpu.dma_semaphore, #tpu.memory_space<semaphore_mem>>
        %dma_start3A = arith.constant 0 : i32
        %dma_start3A_73 = tpu.memref_slice %arg8[%arg0, %mul3A_72, %dma_start3A] : memref<2x10112x128xf32, #tpu.memory_space<hbm>> -> memref<1x128x128xf32, #tpu.memory_space<hbm>>
        %dma_start3A_74 = tpu.memref_squeeze %dma_start3A_73 : memref<1x128x128xf32, #tpu.memory_space<hbm>> -> memref<128x128xf32, #tpu.memory_space<hbm>>
        %dma_start3A_75 = arith.constant 0 : i32
        %dma_start3A_76 = tpu.memref_slice %arg8[%arg0, %mul3A_72, %dma_start3A_75] : memref<2x10112x128xf32, #tpu.memory_space<hbm>> -> memref<1x128x128xf32, #tpu.memory_space<hbm>>
        %dma_start3A_77 = tpu.memref_squeeze %dma_start3A_76 : memref<1x128x128xf32, #tpu.memory_space<hbm>> -> memref<128x128xf32, #tpu.memory_space<hbm>>
        tpu.enqueue_dma source(%arg10 : memref<128x128xf32, #tpu.memory_space<vmem>>) target(%dma_start3A_77 : memref<128x128xf32, #tpu.memory_space<hbm>>) target_semaphore(%run_scoped3A : memref<!tpu.dma_semaphore, #tpu.memory_space<semaphore_mem>>)
        %dma_wait3A = arith.constant 0 : i32
        %dma_wait3A_78 = tpu.memref_slice %arg8[%arg0, %mul3A_72, %dma_wait3A] : memref<2x10112x128xf32, #tpu.memory_space<hbm>> -> memref<1x128x128xf32, #tpu.memory_space<hbm>>
        %dma_wait3A_79 = tpu.memref_squeeze %dma_wait3A_78 : memref<1x128x128xf32, #tpu.memory_space<hbm>> -> memref<128x128xf32, #tpu.memory_space<hbm>>
        %dma_wait3A_80 = arith.constant 0 : i32
        %dma_wait3A_81 = tpu.memref_slice %arg8[%arg0, %mul3A_72, %dma_wait3A_80] : memref<2x10112x128xf32, #tpu.memory_space<hbm>> -> memref<1x128x128xf32, #tpu.memory_space<hbm>>
        %dma_wait3A_82 = tpu.memref_squeeze %dma_wait3A_81 : memref<1x128x128xf32, #tpu.memory_space<hbm>> -> memref<128x128xf32, #tpu.memory_space<hbm>>
        tpu.wait_dma2 semaphore(%run_scoped3A : memref<!tpu.dma_semaphore, #tpu.memory_space<semaphore_mem>>) src(%arg10 : memref<128x128xf32, #tpu.memory_space<vmem>>) dst(%dma_wait3A_82 : memref<128x128xf32, #tpu.memory_space<hbm>>)
        tpu.yield
      }) : () -> ()
      "tpu.region"() ({
        %run_scoped3A = tpu.sem_alloc : memref<!tpu.dma_semaphore, #tpu.memory_space<semaphore_mem>>
        %dma_start3A = arith.constant 0 : i32
        %dma_start3A_73 = tpu.memref_slice %arg16[%mul3A_72, %dma_start3A] : memref<10112x16xf32, #tpu.memory_space<vmem_shared>> -> memref<128x16xf32, #tpu.memory_space<vmem_shared>>
        %dma_start3A_74 = arith.constant 0 : i32
        %dma_start3A_75 = tpu.memref_slice %arg16[%mul3A_72, %dma_start3A_74] : memref<10112x16xf32, #tpu.memory_space<vmem_shared>> -> memref<128x16xf32, #tpu.memory_space<vmem_shared>>
        tpu.enqueue_dma source(%dma_start3A_75 : memref<128x16xf32, #tpu.memory_space<vmem_shared>>) target(%arg14 : memref<128x16xf32, #tpu.memory_space<vmem>>) target_semaphore(%run_scoped3A : memref<!tpu.dma_semaphore, #tpu.memory_space<semaphore_mem>>)
        %dma_wait3A = arith.constant 0 : i32
        %dma_wait3A_76 = tpu.memref_slice %arg16[%mul3A_72, %dma_wait3A] : memref<10112x16xf32, #tpu.memory_space<vmem_shared>> -> memref<128x16xf32, #tpu.memory_space<vmem_shared>>
        %dma_wait3A_77 = arith.constant 0 : i32
        %dma_wait3A_78 = tpu.memref_slice %arg16[%mul3A_72, %dma_wait3A_77] : memref<10112x16xf32, #tpu.memory_space<vmem_shared>> -> memref<128x16xf32, #tpu.memory_space<vmem_shared>>
        tpu.wait_dma2 semaphore(%run_scoped3A : memref<!tpu.dma_semaphore, #tpu.memory_space<semaphore_mem>>) src(%dma_wait3A_78 : memref<128x16xf32, #tpu.memory_space<vmem_shared>>) dst(%arg14 : memref<128x16xf32, #tpu.memory_space<vmem>>)
        tpu.yield
      }) : () -> ()
      "tpu.region"() ({
        %run_scoped3A = tpu.sem_alloc : memref<!tpu.dma_semaphore, #tpu.memory_space<semaphore_mem>>
        %dma_start3A = arith.constant 0 : i32
        %dma_start3A_73 = tpu.memref_slice %arg9[%arg0, %mul3A_72, %dma_start3A] : memref<2x10112x16xf32, #tpu.memory_space<hbm>> -> memref<1x128x16xf32, #tpu.memory_space<hbm>>
        %dma_start3A_74 = tpu.memref_squeeze %dma_start3A_73 : memref<1x128x16xf32, #tpu.memory_space<hbm>> -> memref<128x16xf32, #tpu.memory_space<hbm>>
        %dma_start3A_75 = arith.constant 0 : i32
        %dma_start3A_76 = tpu.memref_slice %arg9[%arg0, %mul3A_72, %dma_start3A_75] : memref<2x10112x16xf32, #tpu.memory_space<hbm>> -> memref<1x128x16xf32, #tpu.memory_space<hbm>>
        %dma_start3A_77 = tpu.memref_squeeze %dma_start3A_76 : memref<1x128x16xf32, #tpu.memory_space<hbm>> -> memref<128x16xf32, #tpu.memory_space<hbm>>
        tpu.enqueue_dma source(%arg14 : memref<128x16xf32, #tpu.memory_space<vmem>>) target(%dma_start3A_77 : memref<128x16xf32, #tpu.memory_space<hbm>>) target_semaphore(%run_scoped3A : memref<!tpu.dma_semaphore, #tpu.memory_space<semaphore_mem>>)
        %dma_wait3A = arith.constant 0 : i32
        %dma_wait3A_78 = tpu.memref_slice %arg9[%arg0, %mul3A_72, %dma_wait3A] : memref<2x10112x16xf32, #tpu.memory_space<hbm>> -> memref<1x128x16xf32, #tpu.memory_space<hbm>>
        %dma_wait3A_79 = tpu.memref_squeeze %dma_wait3A_78 : memref<1x128x16xf32, #tpu.memory_space<hbm>> -> memref<128x16xf32, #tpu.memory_space<hbm>>
        %dma_wait3A_80 = arith.constant 0 : i32
        %dma_wait3A_81 = tpu.memref_slice %arg9[%arg0, %mul3A_72, %dma_wait3A_80] : memref<2x10112x16xf32, #tpu.memory_space<hbm>> -> memref<1x128x16xf32, #tpu.memory_space<hbm>>
        %dma_wait3A_82 = tpu.memref_squeeze %dma_wait3A_81 : memref<1x128x16xf32, #tpu.memory_space<hbm>> -> memref<128x16xf32, #tpu.memory_space<hbm>>
        tpu.wait_dma2 semaphore(%run_scoped3A : memref<!tpu.dma_semaphore, #tpu.memory_space<semaphore_mem>>) src(%arg14 : memref<128x16xf32, #tpu.memory_space<vmem>>) dst(%dma_wait3A_82 : memref<128x16xf32, #tpu.memory_space<hbm>>)
        tpu.yield
      }) : () -> ()
    } else {
    }
    return
  }
}

#map = affine_map<(d0, d1) -> (0, 0)>
#map1 = affine_map<(d0, d1) -> (0)>
#map2 = affine_map<(d0, d1) -> (0, 0, 0)>
module attributes {stable_mosaic.version = 14 : i64} {
  func.func @_sc_pass_b(%arg0: i32, %arg1: i32, %arg2: memref<10000x128xf32, #tpu.memory_space<hbm>>, %arg3: memref<323584xi32, #tpu.memory_space<hbm>>, %arg4: memref<323584xi32, #tpu.memory_space<hbm>>, %arg5: memref<10112x128xf32, #tpu.memory_space<hbm>>, %arg6: memref<2x10112x128xf32, #tpu.memory_space<hbm>>, %arg7: memref<128x128xf32, #tpu.memory_space<vmem>>, %arg8: memref<1x128xi32, #tpu.memory_space<vmem>>, %arg9: memref<1x128xi32, #tpu.memory_space<vmem>>, %arg10: memref<10112x128xf32, #tpu.memory_space<vmem_shared>>) attributes {dimension_semantics = [#tpu.dimension_semantics<core_parallel>, #tpu.dimension_semantics<subcore_parallel>], iteration_bounds = array<i64: 2, 16>, scalar_prefetch = 0 : i64, scratch_operands = 4 : i64, tpu.core_type = #tpu.core_type<sc_vector_subcore>, window_params = [{transform_indices = #map}, {transform_indices = #map1}, {transform_indices = #map1}, {transform_indices = #map}, {transform_indices = #map2}]} {
    "tpu.region"() ({
      %run_scoped3A = tpu.sem_alloc : memref<!tpu.dma_semaphore, #tpu.memory_space<semaphore_mem>>
      %dma_start3A = arith.constant 0 : i32
      %dma_start3A_72 = arith.constant 0 : i32
      %dma_start3A_73 = tpu.memref_slice %arg5[%dma_start3A, %dma_start3A_72] : memref<10112x128xf32, #tpu.memory_space<hbm>> -> memref<128x128xf32, #tpu.memory_space<hbm>>
      %dma_start3A_74 = arith.constant 0 : i32
      %dma_start3A_75 = arith.constant 0 : i32
      %dma_start3A_76 = tpu.memref_slice %arg5[%dma_start3A_74, %dma_start3A_75] : memref<10112x128xf32, #tpu.memory_space<hbm>> -> memref<128x128xf32, #tpu.memory_space<hbm>>
      tpu.enqueue_dma source(%dma_start3A_76 : memref<128x128xf32, #tpu.memory_space<hbm>>) target(%arg7 : memref<128x128xf32, #tpu.memory_space<vmem>>) target_semaphore(%run_scoped3A : memref<!tpu.dma_semaphore, #tpu.memory_space<semaphore_mem>>)
      %dma_wait3A = arith.constant 0 : i32
      %dma_wait3A_77 = arith.constant 0 : i32
      %dma_wait3A_78 = tpu.memref_slice %arg5[%dma_wait3A, %dma_wait3A_77] : memref<10112x128xf32, #tpu.memory_space<hbm>> -> memref<128x128xf32, #tpu.memory_space<hbm>>
      %dma_wait3A_79 = arith.constant 0 : i32
      %dma_wait3A_80 = arith.constant 0 : i32
      %dma_wait3A_81 = tpu.memref_slice %arg5[%dma_wait3A_79, %dma_wait3A_80] : memref<10112x128xf32, #tpu.memory_space<hbm>> -> memref<128x128xf32, #tpu.memory_space<hbm>>
      tpu.wait_dma2 semaphore(%run_scoped3A : memref<!tpu.dma_semaphore, #tpu.memory_space<semaphore_mem>>) src(%dma_wait3A_81 : memref<128x128xf32, #tpu.memory_space<hbm>>) dst(%arg7 : memref<128x128xf32, #tpu.memory_space<vmem>>)
      tpu.yield
    }) : () -> ()
    %add3A = arith.constant 0 : i32
    %add3A_0 = arith.addi %arg1, %add3A : i32
    %lt3A = arith.constant 79 : i32
    %lt3A_1 = arith.cmpi slt, %add3A_0, %lt3A : i32
    %convert_element_type3A = arith.extui %lt3A_1 : i1 to i32
    %cond3A = arith.constant 0 : i32
    %cond3A_2 = arith.cmpi ne, %convert_element_type3A, %cond3A : i32
    scf.if %cond3A_2 {
      %mul3A = arith.constant 128 : i32
      %mul3A_72 = arith.muli %add3A_0, %mul3A : i32
      "tpu.region"() ({
        %run_scoped3A = tpu.sem_alloc : memref<!tpu.dma_semaphore, #tpu.memory_space<semaphore_mem>>
        %dma_start3A = arith.constant 0 : i32
        %dma_start3A_73 = tpu.memref_slice %arg10[%mul3A_72, %dma_start3A] : memref<10112x128xf32, #tpu.memory_space<vmem_shared>> -> memref<128x128xf32, #tpu.memory_space<vmem_shared>>
        %dma_start3A_74 = arith.constant 0 : i32
        %dma_start3A_75 = tpu.memref_slice %arg10[%mul3A_72, %dma_start3A_74] : memref<10112x128xf32, #tpu.memory_space<vmem_shared>> -> memref<128x128xf32, #tpu.memory_space<vmem_shared>>
        tpu.enqueue_dma source(%arg7 : memref<128x128xf32, #tpu.memory_space<vmem>>) target(%dma_start3A_75 : memref<128x128xf32, #tpu.memory_space<vmem_shared>>) target_semaphore(%run_scoped3A : memref<!tpu.dma_semaphore, #tpu.memory_space<semaphore_mem>>)
        %dma_wait3A = arith.constant 0 : i32
        %dma_wait3A_76 = tpu.memref_slice %arg10[%mul3A_72, %dma_wait3A] : memref<10112x128xf32, #tpu.memory_space<vmem_shared>> -> memref<128x128xf32, #tpu.memory_space<vmem_shared>>
        %dma_wait3A_77 = arith.constant 0 : i32
        %dma_wait3A_78 = tpu.memref_slice %arg10[%mul3A_72, %dma_wait3A_77] : memref<10112x128xf32, #tpu.memory_space<vmem_shared>> -> memref<128x128xf32, #tpu.memory_space<vmem_shared>>
        tpu.wait_dma2 semaphore(%run_scoped3A : memref<!tpu.dma_semaphore, #tpu.memory_space<semaphore_mem>>) src(%arg7 : memref<128x128xf32, #tpu.memory_space<vmem>>) dst(%dma_wait3A_78 : memref<128x128xf32, #tpu.memory_space<vmem_shared>>)
        tpu.yield
      }) : () -> ()
    } else {
    }
    %add3A_3 = arith.constant 16 : i32
    %add3A_4 = arith.addi %arg1, %add3A_3 : i32
    %lt3A_5 = arith.constant 79 : i32
    %lt3A_6 = arith.cmpi slt, %add3A_4, %lt3A_5 : i32
    %convert_element_type3A_7 = arith.extui %lt3A_6 : i1 to i32
    %cond3A_8 = arith.constant 0 : i32
    %cond3A_9 = arith.cmpi ne, %convert_element_type3A_7, %cond3A_8 : i32
    scf.if %cond3A_9 {
      %mul3A = arith.constant 128 : i32
      %mul3A_72 = arith.muli %add3A_4, %mul3A : i32
      "tpu.region"() ({
        %run_scoped3A = tpu.sem_alloc : memref<!tpu.dma_semaphore, #tpu.memory_space<semaphore_mem>>
        %dma_start3A = arith.constant 0 : i32
        %dma_start3A_73 = tpu.memref_slice %arg10[%mul3A_72, %dma_start3A] : memref<10112x128xf32, #tpu.memory_space<vmem_shared>> -> memref<128x128xf32, #tpu.memory_space<vmem_shared>>
        %dma_start3A_74 = arith.constant 0 : i32
        %dma_start3A_75 = tpu.memref_slice %arg10[%mul3A_72, %dma_start3A_74] : memref<10112x128xf32, #tpu.memory_space<vmem_shared>> -> memref<128x128xf32, #tpu.memory_space<vmem_shared>>
        tpu.enqueue_dma source(%arg7 : memref<128x128xf32, #tpu.memory_space<vmem>>) target(%dma_start3A_75 : memref<128x128xf32, #tpu.memory_space<vmem_shared>>) target_semaphore(%run_scoped3A : memref<!tpu.dma_semaphore, #tpu.memory_space<semaphore_mem>>)
        %dma_wait3A = arith.constant 0 : i32
        %dma_wait3A_76 = tpu.memref_slice %arg10[%mul3A_72, %dma_wait3A] : memref<10112x128xf32, #tpu.memory_space<vmem_shared>> -> memref<128x128xf32, #tpu.memory_space<vmem_shared>>
        %dma_wait3A_77 = arith.constant 0 : i32
        %dma_wait3A_78 = tpu.memref_slice %arg10[%mul3A_72, %dma_wait3A_77] : memref<10112x128xf32, #tpu.memory_space<vmem_shared>> -> memref<128x128xf32, #tpu.memory_space<vmem_shared>>
        tpu.wait_dma2 semaphore(%run_scoped3A : memref<!tpu.dma_semaphore, #tpu.memory_space<semaphore_mem>>) src(%arg7 : memref<128x128xf32, #tpu.memory_space<vmem>>) dst(%dma_wait3A_78 : memref<128x128xf32, #tpu.memory_space<vmem_shared>>)
        tpu.yield
      }) : () -> ()
    } else {
    }
    %add3A_10 = arith.constant 32 : i32
    %add3A_11 = arith.addi %arg1, %add3A_10 : i32
    %lt3A_12 = arith.constant 79 : i32
    %lt3A_13 = arith.cmpi slt, %add3A_11, %lt3A_12 : i32
    %convert_element_type3A_14 = arith.extui %lt3A_13 : i1 to i32
    %cond3A_15 = arith.constant 0 : i32
    %cond3A_16 = arith.cmpi ne, %convert_element_type3A_14, %cond3A_15 : i32
    scf.if %cond3A_16 {
      %mul3A = arith.constant 128 : i32
      %mul3A_72 = arith.muli %add3A_11, %mul3A : i32
      "tpu.region"() ({
        %run_scoped3A = tpu.sem_alloc : memref<!tpu.dma_semaphore, #tpu.memory_space<semaphore_mem>>
        %dma_start3A = arith.constant 0 : i32
        %dma_start3A_73 = tpu.memref_slice %arg10[%mul3A_72, %dma_start3A] : memref<10112x128xf32, #tpu.memory_space<vmem_shared>> -> memref<128x128xf32, #tpu.memory_space<vmem_shared>>
        %dma_start3A_74 = arith.constant 0 : i32
        %dma_start3A_75 = tpu.memref_slice %arg10[%mul3A_72, %dma_start3A_74] : memref<10112x128xf32, #tpu.memory_space<vmem_shared>> -> memref<128x128xf32, #tpu.memory_space<vmem_shared>>
        tpu.enqueue_dma source(%arg7 : memref<128x128xf32, #tpu.memory_space<vmem>>) target(%dma_start3A_75 : memref<128x128xf32, #tpu.memory_space<vmem_shared>>) target_semaphore(%run_scoped3A : memref<!tpu.dma_semaphore, #tpu.memory_space<semaphore_mem>>)
        %dma_wait3A = arith.constant 0 : i32
        %dma_wait3A_76 = tpu.memref_slice %arg10[%mul3A_72, %dma_wait3A] : memref<10112x128xf32, #tpu.memory_space<vmem_shared>> -> memref<128x128xf32, #tpu.memory_space<vmem_shared>>
        %dma_wait3A_77 = arith.constant 0 : i32
        %dma_wait3A_78 = tpu.memref_slice %arg10[%mul3A_72, %dma_wait3A_77] : memref<10112x128xf32, #tpu.memory_space<vmem_shared>> -> memref<128x128xf32, #tpu.memory_space<vmem_shared>>
        tpu.wait_dma2 semaphore(%run_scoped3A : memref<!tpu.dma_semaphore, #tpu.memory_space<semaphore_mem>>) src(%arg7 : memref<128x128xf32, #tpu.memory_space<vmem>>) dst(%dma_wait3A_78 : memref<128x128xf32, #tpu.memory_space<vmem_shared>>)
        tpu.yield
      }) : () -> ()
    } else {
    }
    %add3A_17 = arith.constant 48 : i32
    %add3A_18 = arith.addi %arg1, %add3A_17 : i32
    %lt3A_19 = arith.constant 79 : i32
    %lt3A_20 = arith.cmpi slt, %add3A_18, %lt3A_19 : i32
    %convert_element_type3A_21 = arith.extui %lt3A_20 : i1 to i32
    %cond3A_22 = arith.constant 0 : i32
    %cond3A_23 = arith.cmpi ne, %convert_element_type3A_21, %cond3A_22 : i32
    scf.if %cond3A_23 {
      %mul3A = arith.constant 128 : i32
      %mul3A_72 = arith.muli %add3A_18, %mul3A : i32
      "tpu.region"() ({
        %run_scoped3A = tpu.sem_alloc : memref<!tpu.dma_semaphore, #tpu.memory_space<semaphore_mem>>
        %dma_start3A = arith.constant 0 : i32
        %dma_start3A_73 = tpu.memref_slice %arg10[%mul3A_72, %dma_start3A] : memref<10112x128xf32, #tpu.memory_space<vmem_shared>> -> memref<128x128xf32, #tpu.memory_space<vmem_shared>>
        %dma_start3A_74 = arith.constant 0 : i32
        %dma_start3A_75 = tpu.memref_slice %arg10[%mul3A_72, %dma_start3A_74] : memref<10112x128xf32, #tpu.memory_space<vmem_shared>> -> memref<128x128xf32, #tpu.memory_space<vmem_shared>>
        tpu.enqueue_dma source(%arg7 : memref<128x128xf32, #tpu.memory_space<vmem>>) target(%dma_start3A_75 : memref<128x128xf32, #tpu.memory_space<vmem_shared>>) target_semaphore(%run_scoped3A : memref<!tpu.dma_semaphore, #tpu.memory_space<semaphore_mem>>)
        %dma_wait3A = arith.constant 0 : i32
        %dma_wait3A_76 = tpu.memref_slice %arg10[%mul3A_72, %dma_wait3A] : memref<10112x128xf32, #tpu.memory_space<vmem_shared>> -> memref<128x128xf32, #tpu.memory_space<vmem_shared>>
        %dma_wait3A_77 = arith.constant 0 : i32
        %dma_wait3A_78 = tpu.memref_slice %arg10[%mul3A_72, %dma_wait3A_77] : memref<10112x128xf32, #tpu.memory_space<vmem_shared>> -> memref<128x128xf32, #tpu.memory_space<vmem_shared>>
        tpu.wait_dma2 semaphore(%run_scoped3A : memref<!tpu.dma_semaphore, #tpu.memory_space<semaphore_mem>>) src(%arg7 : memref<128x128xf32, #tpu.memory_space<vmem>>) dst(%dma_wait3A_78 : memref<128x128xf32, #tpu.memory_space<vmem_shared>>)
        tpu.yield
      }) : () -> ()
    } else {
    }
    %add3A_24 = arith.constant 64 : i32
    %add3A_25 = arith.addi %arg1, %add3A_24 : i32
    %lt3A_26 = arith.constant 79 : i32
    %lt3A_27 = arith.cmpi slt, %add3A_25, %lt3A_26 : i32
    %convert_element_type3A_28 = arith.extui %lt3A_27 : i1 to i32
    %cond3A_29 = arith.constant 0 : i32
    %cond3A_30 = arith.cmpi ne, %convert_element_type3A_28, %cond3A_29 : i32
    scf.if %cond3A_30 {
      %mul3A = arith.constant 128 : i32
      %mul3A_72 = arith.muli %add3A_25, %mul3A : i32
      "tpu.region"() ({
        %run_scoped3A = tpu.sem_alloc : memref<!tpu.dma_semaphore, #tpu.memory_space<semaphore_mem>>
        %dma_start3A = arith.constant 0 : i32
        %dma_start3A_73 = tpu.memref_slice %arg10[%mul3A_72, %dma_start3A] : memref<10112x128xf32, #tpu.memory_space<vmem_shared>> -> memref<128x128xf32, #tpu.memory_space<vmem_shared>>
        %dma_start3A_74 = arith.constant 0 : i32
        %dma_start3A_75 = tpu.memref_slice %arg10[%mul3A_72, %dma_start3A_74] : memref<10112x128xf32, #tpu.memory_space<vmem_shared>> -> memref<128x128xf32, #tpu.memory_space<vmem_shared>>
        tpu.enqueue_dma source(%arg7 : memref<128x128xf32, #tpu.memory_space<vmem>>) target(%dma_start3A_75 : memref<128x128xf32, #tpu.memory_space<vmem_shared>>) target_semaphore(%run_scoped3A : memref<!tpu.dma_semaphore, #tpu.memory_space<semaphore_mem>>)
        %dma_wait3A = arith.constant 0 : i32
        %dma_wait3A_76 = tpu.memref_slice %arg10[%mul3A_72, %dma_wait3A] : memref<10112x128xf32, #tpu.memory_space<vmem_shared>> -> memref<128x128xf32, #tpu.memory_space<vmem_shared>>
        %dma_wait3A_77 = arith.constant 0 : i32
        %dma_wait3A_78 = tpu.memref_slice %arg10[%mul3A_72, %dma_wait3A_77] : memref<10112x128xf32, #tpu.memory_space<vmem_shared>> -> memref<128x128xf32, #tpu.memory_space<vmem_shared>>
        tpu.wait_dma2 semaphore(%run_scoped3A : memref<!tpu.dma_semaphore, #tpu.memory_space<semaphore_mem>>) src(%arg7 : memref<128x128xf32, #tpu.memory_space<vmem>>) dst(%dma_wait3A_78 : memref<128x128xf32, #tpu.memory_space<vmem_shared>>)
        tpu.yield
      }) : () -> ()
    } else {
    }
    %barrier3A = arith.constant 0 : index
    tpu.barrier barrier_id(%barrier3A)
    %scan3A = arith.constant 0 : i32
    %scan3A_31 = arith.constant 0 : i32
    %scan3A_32 = arith.constant 79 : i32
    %scan3A_33 = arith.addi %scan3A_31, %scan3A_32 : i32
    %scan3A_34 = arith.constant 1 : i32
    scf.for %scan3A_72 = %scan3A_31 to %scan3A_33 step %scan3A_34  : i32 {
      %mul3A = arith.constant 16 : i32
      %mul3A_73 = arith.muli %arg0, %mul3A : i32
      %add3A_74 = arith.addi %mul3A_73, %arg1 : i32
      %mul3A_75 = arith.constant 79 : i32
      %mul3A_76 = arith.muli %add3A_74, %mul3A_75 : i32
      %add3A_77 = arith.addi %mul3A_76, %scan3A_72 : i32
      %mul3A_78 = arith.constant 128 : i32
      %mul3A_79 = arith.muli %add3A_77, %mul3A_78 : i32
      %run_scoped3A = arith.constant 0 : i32
      "tpu.region"() ({
        %run_scoped3A_83 = tpu.sem_alloc : memref<!tpu.dma_semaphore, #tpu.memory_space<semaphore_mem>>
        %dma_start3A = arith.constant 0 : i32
        %dma_start3A_84 = tpu.memref_slice %arg8[%run_scoped3A, %dma_start3A] : memref<1x128xi32, #tpu.memory_space<vmem>> -> memref<1x128xi32, #tpu.memory_space<vmem>>
        %dma_start3A_85 = tpu.memref_squeeze %dma_start3A_84 : memref<1x128xi32, #tpu.memory_space<vmem>> -> memref<128xi32, #tpu.memory_space<vmem>>
        %dma_start3A_86 = tpu.memref_slice %arg3[%mul3A_79] : memref<323584xi32, #tpu.memory_space<hbm>> -> memref<128xi32, #tpu.memory_space<hbm>>
        %dma_start3A_87 = arith.constant 0 : i32
        %dma_start3A_88 = tpu.memref_slice %arg8[%run_scoped3A, %dma_start3A_87] : memref<1x128xi32, #tpu.memory_space<vmem>> -> memref<1x128xi32, #tpu.memory_space<vmem>>
        %dma_start3A_89 = tpu.memref_squeeze %dma_start3A_88 : memref<1x128xi32, #tpu.memory_space<vmem>> -> memref<128xi32, #tpu.memory_space<vmem>>
        %dma_start3A_90 = tpu.memref_slice %arg3[%mul3A_79] : memref<323584xi32, #tpu.memory_space<hbm>> -> memref<128xi32, #tpu.memory_space<hbm>>
        tpu.enqueue_dma source(%dma_start3A_90 : memref<128xi32, #tpu.memory_space<hbm>>) target(%dma_start3A_89 : memref<128xi32, #tpu.memory_space<vmem>>) target_semaphore(%run_scoped3A_83 : memref<!tpu.dma_semaphore, #tpu.memory_space<semaphore_mem>>)
        %dma_wait3A = arith.constant 0 : i32
        %dma_wait3A_91 = tpu.memref_slice %arg8[%run_scoped3A, %dma_wait3A] : memref<1x128xi32, #tpu.memory_space<vmem>> -> memref<1x128xi32, #tpu.memory_space<vmem>>
        %dma_wait3A_92 = tpu.memref_squeeze %dma_wait3A_91 : memref<1x128xi32, #tpu.memory_space<vmem>> -> memref<128xi32, #tpu.memory_space<vmem>>
        %dma_wait3A_93 = tpu.memref_slice %arg3[%mul3A_79] : memref<323584xi32, #tpu.memory_space<hbm>> -> memref<128xi32, #tpu.memory_space<hbm>>
        %dma_wait3A_94 = arith.constant 0 : i32
        %dma_wait3A_95 = tpu.memref_slice %arg8[%run_scoped3A, %dma_wait3A_94] : memref<1x128xi32, #tpu.memory_space<vmem>> -> memref<1x128xi32, #tpu.memory_space<vmem>>
        %dma_wait3A_96 = tpu.memref_squeeze %dma_wait3A_95 : memref<1x128xi32, #tpu.memory_space<vmem>> -> memref<128xi32, #tpu.memory_space<vmem>>
        %dma_wait3A_97 = tpu.memref_slice %arg3[%mul3A_79] : memref<323584xi32, #tpu.memory_space<hbm>> -> memref<128xi32, #tpu.memory_space<hbm>>
        tpu.wait_dma2 semaphore(%run_scoped3A_83 : memref<!tpu.dma_semaphore, #tpu.memory_space<semaphore_mem>>) src(%dma_wait3A_97 : memref<128xi32, #tpu.memory_space<hbm>>) dst(%dma_wait3A_96 : memref<128xi32, #tpu.memory_space<vmem>>)
        tpu.yield
      }) : () -> ()
      %run_scoped3A_80 = arith.constant 0 : i32
      "tpu.region"() ({
        %run_scoped3A_83 = tpu.sem_alloc : memref<!tpu.dma_semaphore, #tpu.memory_space<semaphore_mem>>
        %dma_start3A = arith.constant 0 : i32
        %dma_start3A_84 = tpu.memref_slice %arg9[%run_scoped3A_80, %dma_start3A] : memref<1x128xi32, #tpu.memory_space<vmem>> -> memref<1x128xi32, #tpu.memory_space<vmem>>
        %dma_start3A_85 = tpu.memref_squeeze %dma_start3A_84 : memref<1x128xi32, #tpu.memory_space<vmem>> -> memref<128xi32, #tpu.memory_space<vmem>>
        %dma_start3A_86 = tpu.memref_slice %arg4[%mul3A_79] : memref<323584xi32, #tpu.memory_space<hbm>> -> memref<128xi32, #tpu.memory_space<hbm>>
        %dma_start3A_87 = arith.constant 0 : i32
        %dma_start3A_88 = tpu.memref_slice %arg9[%run_scoped3A_80, %dma_start3A_87] : memref<1x128xi32, #tpu.memory_space<vmem>> -> memref<1x128xi32, #tpu.memory_space<vmem>>
        %dma_start3A_89 = tpu.memref_squeeze %dma_start3A_88 : memref<1x128xi32, #tpu.memory_space<vmem>> -> memref<128xi32, #tpu.memory_space<vmem>>
        %dma_start3A_90 = tpu.memref_slice %arg4[%mul3A_79] : memref<323584xi32, #tpu.memory_space<hbm>> -> memref<128xi32, #tpu.memory_space<hbm>>
        tpu.enqueue_dma source(%dma_start3A_90 : memref<128xi32, #tpu.memory_space<hbm>>) target(%dma_start3A_89 : memref<128xi32, #tpu.memory_space<vmem>>) target_semaphore(%run_scoped3A_83 : memref<!tpu.dma_semaphore, #tpu.memory_space<semaphore_mem>>)
        %dma_wait3A = arith.constant 0 : i32
        %dma_wait3A_91 = tpu.memref_slice %arg9[%run_scoped3A_80, %dma_wait3A] : memref<1x128xi32, #tpu.memory_space<vmem>> -> memref<1x128xi32, #tpu.memory_space<vmem>>
        %dma_wait3A_92 = tpu.memref_squeeze %dma_wait3A_91 : memref<1x128xi32, #tpu.memory_space<vmem>> -> memref<128xi32, #tpu.memory_space<vmem>>
        %dma_wait3A_93 = tpu.memref_slice %arg4[%mul3A_79] : memref<323584xi32, #tpu.memory_space<hbm>> -> memref<128xi32, #tpu.memory_space<hbm>>
        %dma_wait3A_94 = arith.constant 0 : i32
        %dma_wait3A_95 = tpu.memref_slice %arg9[%run_scoped3A_80, %dma_wait3A_94] : memref<1x128xi32, #tpu.memory_space<vmem>> -> memref<1x128xi32, #tpu.memory_space<vmem>>
        %dma_wait3A_96 = tpu.memref_squeeze %dma_wait3A_95 : memref<1x128xi32, #tpu.memory_space<vmem>> -> memref<128xi32, #tpu.memory_space<vmem>>
        %dma_wait3A_97 = tpu.memref_slice %arg4[%mul3A_79] : memref<323584xi32, #tpu.memory_space<hbm>> -> memref<128xi32, #tpu.memory_space<hbm>>
        tpu.wait_dma2 semaphore(%run_scoped3A_83 : memref<!tpu.dma_semaphore, #tpu.memory_space<semaphore_mem>>) src(%dma_wait3A_97 : memref<128xi32, #tpu.memory_space<hbm>>) dst(%dma_wait3A_96 : memref<128xi32, #tpu.memory_space<vmem>>)
        tpu.yield
      }) : () -> ()
      %run_scoped3A_81 = arith.constant 0 : i32
      "tpu.region"() ({
        %run_scoped3A_83 = tpu.sem_alloc : memref<!tpu.dma_semaphore, #tpu.memory_space<semaphore_mem>>
        %dma_start3A = arith.constant 0 : i32
        %dma_start3A_84 = tpu.memref_slice %arg8[%run_scoped3A_81, %dma_start3A] : memref<1x128xi32, #tpu.memory_space<vmem>> -> memref<1x128xi32, #tpu.memory_space<vmem>>
        %dma_start3A_85 = tpu.memref_squeeze %dma_start3A_84 : memref<1x128xi32, #tpu.memory_space<vmem>> -> memref<128xi32, #tpu.memory_space<vmem>>
        %dma_start3A_86 = arith.constant 0 : i32
        %dma_start3A_87 = arith.constant 0 : i32
        %dma_start3A_88 = tpu.memref_slice %arg2[%dma_start3A_86, %dma_start3A_87] : memref<10000x128xf32, #tpu.memory_space<hbm>> -> memref<10000x128xf32, #tpu.memory_space<hbm>>
        tpu.enqueue_indirect_dma source(%dma_start3A_88 : memref<10000x128xf32, #tpu.memory_space<hbm>>) target(%arg7 : memref<128x128xf32, #tpu.memory_space<vmem>>) offsets(%dma_start3A_85 : memref<128xi32, #tpu.memory_space<vmem>>) semaphore(%run_scoped3A_83 : memref<!tpu.dma_semaphore, #tpu.memory_space<semaphore_mem>>)
        %dma_wait3A = arith.constant 0 : i32
        %dma_wait3A_89 = tpu.memref_slice %arg8[%run_scoped3A_81, %dma_wait3A] : memref<1x128xi32, #tpu.memory_space<vmem>> -> memref<1x128xi32, #tpu.memory_space<vmem>>
        %dma_wait3A_90 = tpu.memref_squeeze %dma_wait3A_89 : memref<1x128xi32, #tpu.memory_space<vmem>> -> memref<128xi32, #tpu.memory_space<vmem>>
        %dma_wait3A_91 = arith.constant 0 : i32
        %dma_wait3A_92 = arith.constant 0 : i32
        %dma_wait3A_93 = tpu.memref_slice %arg2[%dma_wait3A_91, %dma_wait3A_92] : memref<10000x128xf32, #tpu.memory_space<hbm>> -> memref<10000x128xf32, #tpu.memory_space<hbm>>
        tpu.wait_indirect_dma semaphore(%run_scoped3A_83 : memref<!tpu.dma_semaphore, #tpu.memory_space<semaphore_mem>>) src(%dma_wait3A_93 : memref<10000x128xf32, #tpu.memory_space<hbm>>) dst(%arg7 : memref<128x128xf32, #tpu.memory_space<vmem>>)
        tpu.yield
      }) : () -> ()
      %run_scoped3A_82 = arith.constant 0 : i32
      "tpu.region"() ({
        %run_scoped3A_83 = tpu.sem_alloc : memref<!tpu.dma_semaphore, #tpu.memory_space<semaphore_mem>>
        %dma_start3A = arith.constant 0 : i32
        %dma_start3A_84 = tpu.memref_slice %arg9[%run_scoped3A_82, %dma_start3A] : memref<1x128xi32, #tpu.memory_space<vmem>> -> memref<1x128xi32, #tpu.memory_space<vmem>>
        %dma_start3A_85 = tpu.memref_squeeze %dma_start3A_84 : memref<1x128xi32, #tpu.memory_space<vmem>> -> memref<128xi32, #tpu.memory_space<vmem>>
        %dma_start3A_86 = arith.constant 0 : i32
        %dma_start3A_87 = arith.constant 0 : i32
        %dma_start3A_88 = tpu.memref_slice %arg10[%dma_start3A_86, %dma_start3A_87] : memref<10112x128xf32, #tpu.memory_space<vmem_shared>> -> memref<10112x128xf32, #tpu.memory_space<vmem_shared>>
        tpu.enqueue_indirect_dma source(%arg7 : memref<128x128xf32, #tpu.memory_space<vmem>>) target(%dma_start3A_88 : memref<10112x128xf32, #tpu.memory_space<vmem_shared>>) offsets(%dma_start3A_85 : memref<128xi32, #tpu.memory_space<vmem>>) semaphore(%run_scoped3A_83 : memref<!tpu.dma_semaphore, #tpu.memory_space<semaphore_mem>>) {add = true}
        %dma_wait3A = arith.constant 0 : i32
        %dma_wait3A_89 = tpu.memref_slice %arg9[%run_scoped3A_82, %dma_wait3A] : memref<1x128xi32, #tpu.memory_space<vmem>> -> memref<1x128xi32, #tpu.memory_space<vmem>>
        %dma_wait3A_90 = tpu.memref_squeeze %dma_wait3A_89 : memref<1x128xi32, #tpu.memory_space<vmem>> -> memref<128xi32, #tpu.memory_space<vmem>>
        %dma_wait3A_91 = arith.constant 0 : i32
        %dma_wait3A_92 = arith.constant 0 : i32
        %dma_wait3A_93 = tpu.memref_slice %arg10[%dma_wait3A_91, %dma_wait3A_92] : memref<10112x128xf32, #tpu.memory_space<vmem_shared>> -> memref<10112x128xf32, #tpu.memory_space<vmem_shared>>
        tpu.wait_indirect_dma semaphore(%run_scoped3A_83 : memref<!tpu.dma_semaphore, #tpu.memory_space<semaphore_mem>>) src(%arg7 : memref<128x128xf32, #tpu.memory_space<vmem>>) dst(%dma_wait3A_93 : memref<10112x128xf32, #tpu.memory_space<vmem_shared>>)
        tpu.yield
      }) : () -> ()
    }
    %scan3A_35 = arith.constant 79 : i32
    %barrier3A_36 = arith.constant 0 : index
    tpu.barrier barrier_id(%barrier3A_36)
    %add3A_37 = arith.constant 0 : i32
    %add3A_38 = arith.addi %arg1, %add3A_37 : i32
    %lt3A_39 = arith.constant 79 : i32
    %lt3A_40 = arith.cmpi slt, %add3A_38, %lt3A_39 : i32
    %convert_element_type3A_41 = arith.extui %lt3A_40 : i1 to i32
    %cond3A_42 = arith.constant 0 : i32
    %cond3A_43 = arith.cmpi ne, %convert_element_type3A_41, %cond3A_42 : i32
    scf.if %cond3A_43 {
      %mul3A = arith.constant 128 : i32
      %mul3A_72 = arith.muli %add3A_38, %mul3A : i32
      "tpu.region"() ({
        %run_scoped3A = tpu.sem_alloc : memref<!tpu.dma_semaphore, #tpu.memory_space<semaphore_mem>>
        %dma_start3A = arith.constant 0 : i32
        %dma_start3A_73 = tpu.memref_slice %arg10[%mul3A_72, %dma_start3A] : memref<10112x128xf32, #tpu.memory_space<vmem_shared>> -> memref<128x128xf32, #tpu.memory_space<vmem_shared>>
        %dma_start3A_74 = arith.constant 0 : i32
        %dma_start3A_75 = tpu.memref_slice %arg10[%mul3A_72, %dma_start3A_74] : memref<10112x128xf32, #tpu.memory_space<vmem_shared>> -> memref<128x128xf32, #tpu.memory_space<vmem_shared>>
        tpu.enqueue_dma source(%dma_start3A_75 : memref<128x128xf32, #tpu.memory_space<vmem_shared>>) target(%arg7 : memref<128x128xf32, #tpu.memory_space<vmem>>) target_semaphore(%run_scoped3A : memref<!tpu.dma_semaphore, #tpu.memory_space<semaphore_mem>>)
        %dma_wait3A = arith.constant 0 : i32
        %dma_wait3A_76 = tpu.memref_slice %arg10[%mul3A_72, %dma_wait3A] : memref<10112x128xf32, #tpu.memory_space<vmem_shared>> -> memref<128x128xf32, #tpu.memory_space<vmem_shared>>
        %dma_wait3A_77 = arith.constant 0 : i32
        %dma_wait3A_78 = tpu.memref_slice %arg10[%mul3A_72, %dma_wait3A_77] : memref<10112x128xf32, #tpu.memory_space<vmem_shared>> -> memref<128x128xf32, #tpu.memory_space<vmem_shared>>
        tpu.wait_dma2 semaphore(%run_scoped3A : memref<!tpu.dma_semaphore, #tpu.memory_space<semaphore_mem>>) src(%dma_wait3A_78 : memref<128x128xf32, #tpu.memory_space<vmem_shared>>) dst(%arg7 : memref<128x128xf32, #tpu.memory_space<vmem>>)
        tpu.yield
      }) : () -> ()
      "tpu.region"() ({
        %run_scoped3A = tpu.sem_alloc : memref<!tpu.dma_semaphore, #tpu.memory_space<semaphore_mem>>
        %dma_start3A = arith.constant 0 : i32
        %dma_start3A_73 = tpu.memref_slice %arg6[%arg0, %mul3A_72, %dma_start3A] : memref<2x10112x128xf32, #tpu.memory_space<hbm>> -> memref<1x128x128xf32, #tpu.memory_space<hbm>>
        %dma_start3A_74 = tpu.memref_squeeze %dma_start3A_73 : memref<1x128x128xf32, #tpu.memory_space<hbm>> -> memref<128x128xf32, #tpu.memory_space<hbm>>
        %dma_start3A_75 = arith.constant 0 : i32
        %dma_start3A_76 = tpu.memref_slice %arg6[%arg0, %mul3A_72, %dma_start3A_75] : memref<2x10112x128xf32, #tpu.memory_space<hbm>> -> memref<1x128x128xf32, #tpu.memory_space<hbm>>
        %dma_start3A_77 = tpu.memref_squeeze %dma_start3A_76 : memref<1x128x128xf32, #tpu.memory_space<hbm>> -> memref<128x128xf32, #tpu.memory_space<hbm>>
        tpu.enqueue_dma source(%arg7 : memref<128x128xf32, #tpu.memory_space<vmem>>) target(%dma_start3A_77 : memref<128x128xf32, #tpu.memory_space<hbm>>) target_semaphore(%run_scoped3A : memref<!tpu.dma_semaphore, #tpu.memory_space<semaphore_mem>>)
        %dma_wait3A = arith.constant 0 : i32
        %dma_wait3A_78 = tpu.memref_slice %arg6[%arg0, %mul3A_72, %dma_wait3A] : memref<2x10112x128xf32, #tpu.memory_space<hbm>> -> memref<1x128x128xf32, #tpu.memory_space<hbm>>
        %dma_wait3A_79 = tpu.memref_squeeze %dma_wait3A_78 : memref<1x128x128xf32, #tpu.memory_space<hbm>> -> memref<128x128xf32, #tpu.memory_space<hbm>>
        %dma_wait3A_80 = arith.constant 0 : i32
        %dma_wait3A_81 = tpu.memref_slice %arg6[%arg0, %mul3A_72, %dma_wait3A_80] : memref<2x10112x128xf32, #tpu.memory_space<hbm>> -> memref<1x128x128xf32, #tpu.memory_space<hbm>>
        %dma_wait3A_82 = tpu.memref_squeeze %dma_wait3A_81 : memref<1x128x128xf32, #tpu.memory_space<hbm>> -> memref<128x128xf32, #tpu.memory_space<hbm>>
        tpu.wait_dma2 semaphore(%run_scoped3A : memref<!tpu.dma_semaphore, #tpu.memory_space<semaphore_mem>>) src(%arg7 : memref<128x128xf32, #tpu.memory_space<vmem>>) dst(%dma_wait3A_82 : memref<128x128xf32, #tpu.memory_space<hbm>>)
        tpu.yield
      }) : () -> ()
    } else {
    }
    %add3A_44 = arith.constant 16 : i32
    %add3A_45 = arith.addi %arg1, %add3A_44 : i32
    %lt3A_46 = arith.constant 79 : i32
    %lt3A_47 = arith.cmpi slt, %add3A_45, %lt3A_46 : i32
    %convert_element_type3A_48 = arith.extui %lt3A_47 : i1 to i32
    %cond3A_49 = arith.constant 0 : i32
    %cond3A_50 = arith.cmpi ne, %convert_element_type3A_48, %cond3A_49 : i32
    scf.if %cond3A_50 {
      %mul3A = arith.constant 128 : i32
      %mul3A_72 = arith.muli %add3A_45, %mul3A : i32
      "tpu.region"() ({
        %run_scoped3A = tpu.sem_alloc : memref<!tpu.dma_semaphore, #tpu.memory_space<semaphore_mem>>
        %dma_start3A = arith.constant 0 : i32
        %dma_start3A_73 = tpu.memref_slice %arg10[%mul3A_72, %dma_start3A] : memref<10112x128xf32, #tpu.memory_space<vmem_shared>> -> memref<128x128xf32, #tpu.memory_space<vmem_shared>>
        %dma_start3A_74 = arith.constant 0 : i32
        %dma_start3A_75 = tpu.memref_slice %arg10[%mul3A_72, %dma_start3A_74] : memref<10112x128xf32, #tpu.memory_space<vmem_shared>> -> memref<128x128xf32, #tpu.memory_space<vmem_shared>>
        tpu.enqueue_dma source(%dma_start3A_75 : memref<128x128xf32, #tpu.memory_space<vmem_shared>>) target(%arg7 : memref<128x128xf32, #tpu.memory_space<vmem>>) target_semaphore(%run_scoped3A : memref<!tpu.dma_semaphore, #tpu.memory_space<semaphore_mem>>)
        %dma_wait3A = arith.constant 0 : i32
        %dma_wait3A_76 = tpu.memref_slice %arg10[%mul3A_72, %dma_wait3A] : memref<10112x128xf32, #tpu.memory_space<vmem_shared>> -> memref<128x128xf32, #tpu.memory_space<vmem_shared>>
        %dma_wait3A_77 = arith.constant 0 : i32
        %dma_wait3A_78 = tpu.memref_slice %arg10[%mul3A_72, %dma_wait3A_77] : memref<10112x128xf32, #tpu.memory_space<vmem_shared>> -> memref<128x128xf32, #tpu.memory_space<vmem_shared>>
        tpu.wait_dma2 semaphore(%run_scoped3A : memref<!tpu.dma_semaphore, #tpu.memory_space<semaphore_mem>>) src(%dma_wait3A_78 : memref<128x128xf32, #tpu.memory_space<vmem_shared>>) dst(%arg7 : memref<128x128xf32, #tpu.memory_space<vmem>>)
        tpu.yield
      }) : () -> ()
      "tpu.region"() ({
        %run_scoped3A = tpu.sem_alloc : memref<!tpu.dma_semaphore, #tpu.memory_space<semaphore_mem>>
        %dma_start3A = arith.constant 0 : i32
        %dma_start3A_73 = tpu.memref_slice %arg6[%arg0, %mul3A_72, %dma_start3A] : memref<2x10112x128xf32, #tpu.memory_space<hbm>> -> memref<1x128x128xf32, #tpu.memory_space<hbm>>
        %dma_start3A_74 = tpu.memref_squeeze %dma_start3A_73 : memref<1x128x128xf32, #tpu.memory_space<hbm>> -> memref<128x128xf32, #tpu.memory_space<hbm>>
        %dma_start3A_75 = arith.constant 0 : i32
        %dma_start3A_76 = tpu.memref_slice %arg6[%arg0, %mul3A_72, %dma_start3A_75] : memref<2x10112x128xf32, #tpu.memory_space<hbm>> -> memref<1x128x128xf32, #tpu.memory_space<hbm>>
        %dma_start3A_77 = tpu.memref_squeeze %dma_start3A_76 : memref<1x128x128xf32, #tpu.memory_space<hbm>> -> memref<128x128xf32, #tpu.memory_space<hbm>>
        tpu.enqueue_dma source(%arg7 : memref<128x128xf32, #tpu.memory_space<vmem>>) target(%dma_start3A_77 : memref<128x128xf32, #tpu.memory_space<hbm>>) target_semaphore(%run_scoped3A : memref<!tpu.dma_semaphore, #tpu.memory_space<semaphore_mem>>)
        %dma_wait3A = arith.constant 0 : i32
        %dma_wait3A_78 = tpu.memref_slice %arg6[%arg0, %mul3A_72, %dma_wait3A] : memref<2x10112x128xf32, #tpu.memory_space<hbm>> -> memref<1x128x128xf32, #tpu.memory_space<hbm>>
        %dma_wait3A_79 = tpu.memref_squeeze %dma_wait3A_78 : memref<1x128x128xf32, #tpu.memory_space<hbm>> -> memref<128x128xf32, #tpu.memory_space<hbm>>
        %dma_wait3A_80 = arith.constant 0 : i32
        %dma_wait3A_81 = tpu.memref_slice %arg6[%arg0, %mul3A_72, %dma_wait3A_80] : memref<2x10112x128xf32, #tpu.memory_space<hbm>> -> memref<1x128x128xf32, #tpu.memory_space<hbm>>
        %dma_wait3A_82 = tpu.memref_squeeze %dma_wait3A_81 : memref<1x128x128xf32, #tpu.memory_space<hbm>> -> memref<128x128xf32, #tpu.memory_space<hbm>>
        tpu.wait_dma2 semaphore(%run_scoped3A : memref<!tpu.dma_semaphore, #tpu.memory_space<semaphore_mem>>) src(%arg7 : memref<128x128xf32, #tpu.memory_space<vmem>>) dst(%dma_wait3A_82 : memref<128x128xf32, #tpu.memory_space<hbm>>)
        tpu.yield
      }) : () -> ()
    } else {
    }
    %add3A_51 = arith.constant 32 : i32
    %add3A_52 = arith.addi %arg1, %add3A_51 : i32
    %lt3A_53 = arith.constant 79 : i32
    %lt3A_54 = arith.cmpi slt, %add3A_52, %lt3A_53 : i32
    %convert_element_type3A_55 = arith.extui %lt3A_54 : i1 to i32
    %cond3A_56 = arith.constant 0 : i32
    %cond3A_57 = arith.cmpi ne, %convert_element_type3A_55, %cond3A_56 : i32
    scf.if %cond3A_57 {
      %mul3A = arith.constant 128 : i32
      %mul3A_72 = arith.muli %add3A_52, %mul3A : i32
      "tpu.region"() ({
        %run_scoped3A = tpu.sem_alloc : memref<!tpu.dma_semaphore, #tpu.memory_space<semaphore_mem>>
        %dma_start3A = arith.constant 0 : i32
        %dma_start3A_73 = tpu.memref_slice %arg10[%mul3A_72, %dma_start3A] : memref<10112x128xf32, #tpu.memory_space<vmem_shared>> -> memref<128x128xf32, #tpu.memory_space<vmem_shared>>
        %dma_start3A_74 = arith.constant 0 : i32
        %dma_start3A_75 = tpu.memref_slice %arg10[%mul3A_72, %dma_start3A_74] : memref<10112x128xf32, #tpu.memory_space<vmem_shared>> -> memref<128x128xf32, #tpu.memory_space<vmem_shared>>
        tpu.enqueue_dma source(%dma_start3A_75 : memref<128x128xf32, #tpu.memory_space<vmem_shared>>) target(%arg7 : memref<128x128xf32, #tpu.memory_space<vmem>>) target_semaphore(%run_scoped3A : memref<!tpu.dma_semaphore, #tpu.memory_space<semaphore_mem>>)
        %dma_wait3A = arith.constant 0 : i32
        %dma_wait3A_76 = tpu.memref_slice %arg10[%mul3A_72, %dma_wait3A] : memref<10112x128xf32, #tpu.memory_space<vmem_shared>> -> memref<128x128xf32, #tpu.memory_space<vmem_shared>>
        %dma_wait3A_77 = arith.constant 0 : i32
        %dma_wait3A_78 = tpu.memref_slice %arg10[%mul3A_72, %dma_wait3A_77] : memref<10112x128xf32, #tpu.memory_space<vmem_shared>> -> memref<128x128xf32, #tpu.memory_space<vmem_shared>>
        tpu.wait_dma2 semaphore(%run_scoped3A : memref<!tpu.dma_semaphore, #tpu.memory_space<semaphore_mem>>) src(%dma_wait3A_78 : memref<128x128xf32, #tpu.memory_space<vmem_shared>>) dst(%arg7 : memref<128x128xf32, #tpu.memory_space<vmem>>)
        tpu.yield
      }) : () -> ()
      "tpu.region"() ({
        %run_scoped3A = tpu.sem_alloc : memref<!tpu.dma_semaphore, #tpu.memory_space<semaphore_mem>>
        %dma_start3A = arith.constant 0 : i32
        %dma_start3A_73 = tpu.memref_slice %arg6[%arg0, %mul3A_72, %dma_start3A] : memref<2x10112x128xf32, #tpu.memory_space<hbm>> -> memref<1x128x128xf32, #tpu.memory_space<hbm>>
        %dma_start3A_74 = tpu.memref_squeeze %dma_start3A_73 : memref<1x128x128xf32, #tpu.memory_space<hbm>> -> memref<128x128xf32, #tpu.memory_space<hbm>>
        %dma_start3A_75 = arith.constant 0 : i32
        %dma_start3A_76 = tpu.memref_slice %arg6[%arg0, %mul3A_72, %dma_start3A_75] : memref<2x10112x128xf32, #tpu.memory_space<hbm>> -> memref<1x128x128xf32, #tpu.memory_space<hbm>>
        %dma_start3A_77 = tpu.memref_squeeze %dma_start3A_76 : memref<1x128x128xf32, #tpu.memory_space<hbm>> -> memref<128x128xf32, #tpu.memory_space<hbm>>
        tpu.enqueue_dma source(%arg7 : memref<128x128xf32, #tpu.memory_space<vmem>>) target(%dma_start3A_77 : memref<128x128xf32, #tpu.memory_space<hbm>>) target_semaphore(%run_scoped3A : memref<!tpu.dma_semaphore, #tpu.memory_space<semaphore_mem>>)
        %dma_wait3A = arith.constant 0 : i32
        %dma_wait3A_78 = tpu.memref_slice %arg6[%arg0, %mul3A_72, %dma_wait3A] : memref<2x10112x128xf32, #tpu.memory_space<hbm>> -> memref<1x128x128xf32, #tpu.memory_space<hbm>>
        %dma_wait3A_79 = tpu.memref_squeeze %dma_wait3A_78 : memref<1x128x128xf32, #tpu.memory_space<hbm>> -> memref<128x128xf32, #tpu.memory_space<hbm>>
        %dma_wait3A_80 = arith.constant 0 : i32
        %dma_wait3A_81 = tpu.memref_slice %arg6[%arg0, %mul3A_72, %dma_wait3A_80] : memref<2x10112x128xf32, #tpu.memory_space<hbm>> -> memref<1x128x128xf32, #tpu.memory_space<hbm>>
        %dma_wait3A_82 = tpu.memref_squeeze %dma_wait3A_81 : memref<1x128x128xf32, #tpu.memory_space<hbm>> -> memref<128x128xf32, #tpu.memory_space<hbm>>
        tpu.wait_dma2 semaphore(%run_scoped3A : memref<!tpu.dma_semaphore, #tpu.memory_space<semaphore_mem>>) src(%arg7 : memref<128x128xf32, #tpu.memory_space<vmem>>) dst(%dma_wait3A_82 : memref<128x128xf32, #tpu.memory_space<hbm>>)
        tpu.yield
      }) : () -> ()
    } else {
    }
    %add3A_58 = arith.constant 48 : i32
    %add3A_59 = arith.addi %arg1, %add3A_58 : i32
    %lt3A_60 = arith.constant 79 : i32
    %lt3A_61 = arith.cmpi slt, %add3A_59, %lt3A_60 : i32
    %convert_element_type3A_62 = arith.extui %lt3A_61 : i1 to i32
    %cond3A_63 = arith.constant 0 : i32
    %cond3A_64 = arith.cmpi ne, %convert_element_type3A_62, %cond3A_63 : i32
    scf.if %cond3A_64 {
      %mul3A = arith.constant 128 : i32
      %mul3A_72 = arith.muli %add3A_59, %mul3A : i32
      "tpu.region"() ({
        %run_scoped3A = tpu.sem_alloc : memref<!tpu.dma_semaphore, #tpu.memory_space<semaphore_mem>>
        %dma_start3A = arith.constant 0 : i32
        %dma_start3A_73 = tpu.memref_slice %arg10[%mul3A_72, %dma_start3A] : memref<10112x128xf32, #tpu.memory_space<vmem_shared>> -> memref<128x128xf32, #tpu.memory_space<vmem_shared>>
        %dma_start3A_74 = arith.constant 0 : i32
        %dma_start3A_75 = tpu.memref_slice %arg10[%mul3A_72, %dma_start3A_74] : memref<10112x128xf32, #tpu.memory_space<vmem_shared>> -> memref<128x128xf32, #tpu.memory_space<vmem_shared>>
        tpu.enqueue_dma source(%dma_start3A_75 : memref<128x128xf32, #tpu.memory_space<vmem_shared>>) target(%arg7 : memref<128x128xf32, #tpu.memory_space<vmem>>) target_semaphore(%run_scoped3A : memref<!tpu.dma_semaphore, #tpu.memory_space<semaphore_mem>>)
        %dma_wait3A = arith.constant 0 : i32
        %dma_wait3A_76 = tpu.memref_slice %arg10[%mul3A_72, %dma_wait3A] : memref<10112x128xf32, #tpu.memory_space<vmem_shared>> -> memref<128x128xf32, #tpu.memory_space<vmem_shared>>
        %dma_wait3A_77 = arith.constant 0 : i32
        %dma_wait3A_78 = tpu.memref_slice %arg10[%mul3A_72, %dma_wait3A_77] : memref<10112x128xf32, #tpu.memory_space<vmem_shared>> -> memref<128x128xf32, #tpu.memory_space<vmem_shared>>
        tpu.wait_dma2 semaphore(%run_scoped3A : memref<!tpu.dma_semaphore, #tpu.memory_space<semaphore_mem>>) src(%dma_wait3A_78 : memref<128x128xf32, #tpu.memory_space<vmem_shared>>) dst(%arg7 : memref<128x128xf32, #tpu.memory_space<vmem>>)
        tpu.yield
      }) : () -> ()
      "tpu.region"() ({
        %run_scoped3A = tpu.sem_alloc : memref<!tpu.dma_semaphore, #tpu.memory_space<semaphore_mem>>
        %dma_start3A = arith.constant 0 : i32
        %dma_start3A_73 = tpu.memref_slice %arg6[%arg0, %mul3A_72, %dma_start3A] : memref<2x10112x128xf32, #tpu.memory_space<hbm>> -> memref<1x128x128xf32, #tpu.memory_space<hbm>>
        %dma_start3A_74 = tpu.memref_squeeze %dma_start3A_73 : memref<1x128x128xf32, #tpu.memory_space<hbm>> -> memref<128x128xf32, #tpu.memory_space<hbm>>
        %dma_start3A_75 = arith.constant 0 : i32
        %dma_start3A_76 = tpu.memref_slice %arg6[%arg0, %mul3A_72, %dma_start3A_75] : memref<2x10112x128xf32, #tpu.memory_space<hbm>> -> memref<1x128x128xf32, #tpu.memory_space<hbm>>
        %dma_start3A_77 = tpu.memref_squeeze %dma_start3A_76 : memref<1x128x128xf32, #tpu.memory_space<hbm>> -> memref<128x128xf32, #tpu.memory_space<hbm>>
        tpu.enqueue_dma source(%arg7 : memref<128x128xf32, #tpu.memory_space<vmem>>) target(%dma_start3A_77 : memref<128x128xf32, #tpu.memory_space<hbm>>) target_semaphore(%run_scoped3A : memref<!tpu.dma_semaphore, #tpu.memory_space<semaphore_mem>>)
        %dma_wait3A = arith.constant 0 : i32
        %dma_wait3A_78 = tpu.memref_slice %arg6[%arg0, %mul3A_72, %dma_wait3A] : memref<2x10112x128xf32, #tpu.memory_space<hbm>> -> memref<1x128x128xf32, #tpu.memory_space<hbm>>
        %dma_wait3A_79 = tpu.memref_squeeze %dma_wait3A_78 : memref<1x128x128xf32, #tpu.memory_space<hbm>> -> memref<128x128xf32, #tpu.memory_space<hbm>>
        %dma_wait3A_80 = arith.constant 0 : i32
        %dma_wait3A_81 = tpu.memref_slice %arg6[%arg0, %mul3A_72, %dma_wait3A_80] : memref<2x10112x128xf32, #tpu.memory_space<hbm>> -> memref<1x128x128xf32, #tpu.memory_space<hbm>>
        %dma_wait3A_82 = tpu.memref_squeeze %dma_wait3A_81 : memref<1x128x128xf32, #tpu.memory_space<hbm>> -> memref<128x128xf32, #tpu.memory_space<hbm>>
        tpu.wait_dma2 semaphore(%run_scoped3A : memref<!tpu.dma_semaphore, #tpu.memory_space<semaphore_mem>>) src(%arg7 : memref<128x128xf32, #tpu.memory_space<vmem>>) dst(%dma_wait3A_82 : memref<128x128xf32, #tpu.memory_space<hbm>>)
        tpu.yield
      }) : () -> ()
    } else {
    }
    %add3A_65 = arith.constant 64 : i32
    %add3A_66 = arith.addi %arg1, %add3A_65 : i32
    %lt3A_67 = arith.constant 79 : i32
    %lt3A_68 = arith.cmpi slt, %add3A_66, %lt3A_67 : i32
    %convert_element_type3A_69 = arith.extui %lt3A_68 : i1 to i32
    %cond3A_70 = arith.constant 0 : i32
    %cond3A_71 = arith.cmpi ne, %convert_element_type3A_69, %cond3A_70 : i32
    scf.if %cond3A_71 {
      %mul3A = arith.constant 128 : i32
      %mul3A_72 = arith.muli %add3A_66, %mul3A : i32
      "tpu.region"() ({
        %run_scoped3A = tpu.sem_alloc : memref<!tpu.dma_semaphore, #tpu.memory_space<semaphore_mem>>
        %dma_start3A = arith.constant 0 : i32
        %dma_start3A_73 = tpu.memref_slice %arg10[%mul3A_72, %dma_start3A] : memref<10112x128xf32, #tpu.memory_space<vmem_shared>> -> memref<128x128xf32, #tpu.memory_space<vmem_shared>>
        %dma_start3A_74 = arith.constant 0 : i32
        %dma_start3A_75 = tpu.memref_slice %arg10[%mul3A_72, %dma_start3A_74] : memref<10112x128xf32, #tpu.memory_space<vmem_shared>> -> memref<128x128xf32, #tpu.memory_space<vmem_shared>>
        tpu.enqueue_dma source(%dma_start3A_75 : memref<128x128xf32, #tpu.memory_space<vmem_shared>>) target(%arg7 : memref<128x128xf32, #tpu.memory_space<vmem>>) target_semaphore(%run_scoped3A : memref<!tpu.dma_semaphore, #tpu.memory_space<semaphore_mem>>)
        %dma_wait3A = arith.constant 0 : i32
        %dma_wait3A_76 = tpu.memref_slice %arg10[%mul3A_72, %dma_wait3A] : memref<10112x128xf32, #tpu.memory_space<vmem_shared>> -> memref<128x128xf32, #tpu.memory_space<vmem_shared>>
        %dma_wait3A_77 = arith.constant 0 : i32
        %dma_wait3A_78 = tpu.memref_slice %arg10[%mul3A_72, %dma_wait3A_77] : memref<10112x128xf32, #tpu.memory_space<vmem_shared>> -> memref<128x128xf32, #tpu.memory_space<vmem_shared>>
        tpu.wait_dma2 semaphore(%run_scoped3A : memref<!tpu.dma_semaphore, #tpu.memory_space<semaphore_mem>>) src(%dma_wait3A_78 : memref<128x128xf32, #tpu.memory_space<vmem_shared>>) dst(%arg7 : memref<128x128xf32, #tpu.memory_space<vmem>>)
        tpu.yield
      }) : () -> ()
      "tpu.region"() ({
        %run_scoped3A = tpu.sem_alloc : memref<!tpu.dma_semaphore, #tpu.memory_space<semaphore_mem>>
        %dma_start3A = arith.constant 0 : i32
        %dma_start3A_73 = tpu.memref_slice %arg6[%arg0, %mul3A_72, %dma_start3A] : memref<2x10112x128xf32, #tpu.memory_space<hbm>> -> memref<1x128x128xf32, #tpu.memory_space<hbm>>
        %dma_start3A_74 = tpu.memref_squeeze %dma_start3A_73 : memref<1x128x128xf32, #tpu.memory_space<hbm>> -> memref<128x128xf32, #tpu.memory_space<hbm>>
        %dma_start3A_75 = arith.constant 0 : i32
        %dma_start3A_76 = tpu.memref_slice %arg6[%arg0, %mul3A_72, %dma_start3A_75] : memref<2x10112x128xf32, #tpu.memory_space<hbm>> -> memref<1x128x128xf32, #tpu.memory_space<hbm>>
        %dma_start3A_77 = tpu.memref_squeeze %dma_start3A_76 : memref<1x128x128xf32, #tpu.memory_space<hbm>> -> memref<128x128xf32, #tpu.memory_space<hbm>>
        tpu.enqueue_dma source(%arg7 : memref<128x128xf32, #tpu.memory_space<vmem>>) target(%dma_start3A_77 : memref<128x128xf32, #tpu.memory_space<hbm>>) target_semaphore(%run_scoped3A : memref<!tpu.dma_semaphore, #tpu.memory_space<semaphore_mem>>)
        %dma_wait3A = arith.constant 0 : i32
        %dma_wait3A_78 = tpu.memref_slice %arg6[%arg0, %mul3A_72, %dma_wait3A] : memref<2x10112x128xf32, #tpu.memory_space<hbm>> -> memref<1x128x128xf32, #tpu.memory_space<hbm>>
        %dma_wait3A_79 = tpu.memref_squeeze %dma_wait3A_78 : memref<1x128x128xf32, #tpu.memory_space<hbm>> -> memref<128x128xf32, #tpu.memory_space<hbm>>
        %dma_wait3A_80 = arith.constant 0 : i32
        %dma_wait3A_81 = tpu.memref_slice %arg6[%arg0, %mul3A_72, %dma_wait3A_80] : memref<2x10112x128xf32, #tpu.memory_space<hbm>> -> memref<1x128x128xf32, #tpu.memory_space<hbm>>
        %dma_wait3A_82 = tpu.memref_squeeze %dma_wait3A_81 : memref<1x128x128xf32, #tpu.memory_space<hbm>> -> memref<128x128xf32, #tpu.memory_space<hbm>>
        tpu.wait_dma2 semaphore(%run_scoped3A : memref<!tpu.dma_semaphore, #tpu.memory_space<semaphore_mem>>) src(%arg7 : memref<128x128xf32, #tpu.memory_space<vmem>>) dst(%dma_wait3A_82 : memref<128x128xf32, #tpu.memory_space<hbm>>)
        tpu.yield
      }) : () -> ()
    } else {
    }
    return
  }
}

module attributes {stable_mosaic.version = 14 : i64} {
  func.func @_tc1_body(%arg0: i32, %arg1: memref<400x128xf32, #tpu.memory_space<vmem>>, %arg2: memref<400x128xf32, #tpu.memory_space<vmem>>, %arg3: memref<400x128xf32, #tpu.memory_space<vmem>>, %arg4: memref<400x16xf32, #tpu.memory_space<vmem>>, %arg5: memref<400x16xf32, #tpu.memory_space<vmem>>, %arg6: memref<128x128xf32, #tpu.memory_space<vmem>>, %arg7: memref<128x128xf32, #tpu.memory_space<vmem>>, %arg8: memref<128x128xf32, #tpu.memory_space<vmem>>, %arg9: memref<1x128xf32, #tpu.memory_space<vmem>>, %arg10: memref<400x128xf32, #tpu.memory_space<vmem>>) attributes {dimension_semantics = [#tpu.dimension_semantics<arbitrary>], iteration_bounds = array<i64: 25>, scalar_prefetch = 0 : i64, scratch_operands = 0 : i64, tpu.core_type = #tpu.core_type<tc>, window_params = [{transform_indices = @transform_0, window_bounds = array<i64: 400, 128>}, {transform_indices = @transform_1, window_bounds = array<i64: 400, 128>}, {transform_indices = @transform_2, window_bounds = array<i64: 400, 128>}, {transform_indices = @transform_3, window_bounds = array<i64: 400, 16>}, {transform_indices = @transform_4, window_bounds = array<i64: 400, 16>}, {pipeline_mode = #tpu.pipeline_mode<synchronous>, transform_indices = @transform_5, window_bounds = array<i64: 128, 128>}, {pipeline_mode = #tpu.pipeline_mode<synchronous>, transform_indices = @transform_6, window_bounds = array<i64: 128, 128>}, {pipeline_mode = #tpu.pipeline_mode<synchronous>, transform_indices = @transform_7, window_bounds = array<i64: 128, 128>}, {pipeline_mode = #tpu.pipeline_mode<synchronous>, transform_indices = @transform_8, window_bounds = array<i64: 1, 128>}, {transform_indices = @transform_9, window_bounds = array<i64: 400, 128>}]} {
    %get3A = arith.constant 0 : index
    %get3A_0 = arith.constant 0 : index
    %get3A_1 = vector.load %arg4[%get3A, %get3A_0] : memref<400x16xf32, #tpu.memory_space<vmem>>, vector<400x1xf32>
    %max3A = arith.constant 1.000000e+00 : f32
    %max3A_2 = vector.broadcast %max3A : f32 to vector<400x1xf32>
    %max3A_3 = arith.maximumf %get3A_1, %max3A_2 : vector<400x1xf32>
    %get3A_4 = arith.constant 0 : index
    %get3A_5 = arith.constant 0 : index
    %get3A_6 = vector.load %arg5[%get3A_4, %get3A_5] : memref<400x16xf32, #tpu.memory_space<vmem>>, vector<400x1xf32>
    %max3A_7 = arith.constant 1.000000e+00 : f32
    %max3A_8 = vector.broadcast %max3A_7 : f32 to vector<400x1xf32>
    %max3A_9 = arith.maximumf %get3A_6, %max3A_8 : vector<400x1xf32>
    %get3A_10 = arith.constant 0 : index
    %get3A_11 = arith.constant 0 : index
    %get3A_12 = vector.load %arg1[%get3A_10, %get3A_11] : memref<400x128xf32, #tpu.memory_space<vmem>>, vector<400x128xf32>
    %get3A_13 = arith.constant 0 : index
    %get3A_14 = arith.constant 0 : index
    %get3A_15 = vector.load %arg6[%get3A_13, %get3A_14] : memref<128x128xf32, #tpu.memory_space<vmem>>, vector<128x128xf32>
    %dot_general3A = arith.constant dense<0.000000e+00> : vector<400x128xf32>
    %dot_general3A_16 = tpu.matmul %get3A_12, %get3A_15, %dot_general3A {dimension_numbers = #tpu.dot_dimension_numbers<[1], [0], [0], [1], [0, 0, 1, 1], [], []>, transpose_lhs_hint = false} : vector<400x128xf32>, vector<128x128xf32>, vector<400x128xf32> -> vector<400x128xf32>
    %get3A_17 = arith.constant 0 : index
    %get3A_18 = arith.constant 0 : index
    %get3A_19 = vector.load %arg2[%get3A_17, %get3A_18] : memref<400x128xf32, #tpu.memory_space<vmem>>, vector<400x128xf32>
    %div3A = vector.broadcast %max3A_3 : vector<400x1xf32> to vector<400x128xf32>
    %div3A_20 = arith.divf %get3A_19, %div3A : vector<400x128xf32>
    %get3A_21 = arith.constant 0 : index
    %get3A_22 = arith.constant 0 : index
    %get3A_23 = vector.load %arg7[%get3A_21, %get3A_22] : memref<128x128xf32, #tpu.memory_space<vmem>>, vector<128x128xf32>
    %dot_general3A_24 = arith.constant dense<0.000000e+00> : vector<400x128xf32>
    %dot_general3A_25 = tpu.matmul %div3A_20, %get3A_23, %dot_general3A_24 {dimension_numbers = #tpu.dot_dimension_numbers<[1], [0], [0], [1], [0, 0, 1, 1], [], []>, transpose_lhs_hint = false} : vector<400x128xf32>, vector<128x128xf32>, vector<400x128xf32> -> vector<400x128xf32>
    %add3A = arith.addf %dot_general3A_16, %dot_general3A_25 : vector<400x128xf32>
    %get3A_26 = arith.constant 0 : index
    %get3A_27 = arith.constant 0 : index
    %get3A_28 = vector.load %arg3[%get3A_26, %get3A_27] : memref<400x128xf32, #tpu.memory_space<vmem>>, vector<400x128xf32>
    %div3A_29 = vector.broadcast %max3A_9 : vector<400x1xf32> to vector<400x128xf32>
    %div3A_30 = arith.divf %get3A_28, %div3A_29 : vector<400x128xf32>
    %get3A_31 = arith.constant 0 : index
    %get3A_32 = arith.constant 0 : index
    %get3A_33 = vector.load %arg8[%get3A_31, %get3A_32] : memref<128x128xf32, #tpu.memory_space<vmem>>, vector<128x128xf32>
    %dot_general3A_34 = arith.constant dense<0.000000e+00> : vector<400x128xf32>
    %dot_general3A_35 = tpu.matmul %div3A_30, %get3A_33, %dot_general3A_34 {dimension_numbers = #tpu.dot_dimension_numbers<[1], [0], [0], [1], [0, 0, 1, 1], [], []>, transpose_lhs_hint = false} : vector<400x128xf32>, vector<128x128xf32>, vector<400x128xf32> -> vector<400x128xf32>
    %add3A_36 = arith.addf %add3A, %dot_general3A_35 : vector<400x128xf32>
    %get3A_37 = arith.constant 0 : index
    %get3A_38 = arith.constant 0 : index
    %get3A_39 = vector.load %arg9[%get3A_37, %get3A_38] : memref<1x128xf32, #tpu.memory_space<vmem>>, vector<1x128xf32>
    %add3A_40 = vector.broadcast %get3A_39 : vector<1x128xf32> to vector<400x128xf32>
    %add3A_41 = arith.addf %add3A_36, %add3A_40 : vector<400x128xf32>
    %max3A_42 = arith.constant 0.000000e+00 : f32
    %max3A_43 = vector.broadcast %max3A_42 : f32 to vector<400x128xf32>
    %max3A_44 = arith.maximumf %add3A_41, %max3A_43 : vector<400x128xf32>
    %swap3A = arith.constant 0 : index
    %swap3A_45 = arith.constant 0 : index
    %swap3A_46 = vector.load %arg10[%swap3A, %swap3A_45] : memref<400x128xf32, #tpu.memory_space<vmem>>, vector<400x128xf32>
    tpu.vector_store %arg10[%swap3A, %swap3A_45], %max3A_44 {strides = array<i32>} : memref<400x128xf32, #tpu.memory_space<vmem>>, vector<400x128xf32>,
    return
  }
  func.func @transform_0(%arg0: i32) -> (i32, i32) {
    %c0_i32 = arith.constant 0 : i32
    %c0_i32_0 = arith.constant 0 : i32
    return %arg0, %c0_i32 : i32, i32
  }
  func.func @transform_1(%arg0: i32) -> (i32, i32) {
    %c0_i32 = arith.constant 0 : i32
    %c0_i32_0 = arith.constant 0 : i32
    return %arg0, %c0_i32 : i32, i32
  }
  func.func @transform_2(%arg0: i32) -> (i32, i32) {
    %c0_i32 = arith.constant 0 : i32
    %c0_i32_0 = arith.constant 0 : i32
    return %arg0, %c0_i32 : i32, i32
  }
  func.func @transform_3(%arg0: i32) -> (i32, i32) {
    %c0_i32 = arith.constant 0 : i32
    %c0_i32_0 = arith.constant 0 : i32
    return %arg0, %c0_i32 : i32, i32
  }
  func.func @transform_4(%arg0: i32) -> (i32, i32) {
    %c0_i32 = arith.constant 0 : i32
    %c0_i32_0 = arith.constant 0 : i32
    return %arg0, %c0_i32 : i32, i32
  }
  func.func @transform_5(%arg0: i32) -> (i32, i32) {
    %c0_i32 = arith.constant 0 : i32
    %c0_i32_0 = arith.constant 0 : i32
    %c0_i32_1 = arith.constant 0 : i32
    return %c0_i32, %c0_i32_0 : i32, i32
  }
  func.func @transform_6(%arg0: i32) -> (i32, i32) {
    %c0_i32 = arith.constant 0 : i32
    %c0_i32_0 = arith.constant 0 : i32
    %c0_i32_1 = arith.constant 0 : i32
    return %c0_i32, %c0_i32_0 : i32, i32
  }
  func.func @transform_7(%arg0: i32) -> (i32, i32) {
    %c0_i32 = arith.constant 0 : i32
    %c0_i32_0 = arith.constant 0 : i32
    %c0_i32_1 = arith.constant 0 : i32
    return %c0_i32, %c0_i32_0 : i32, i32
  }
  func.func @transform_8(%arg0: i32) -> (i32, i32) {
    %c0_i32 = arith.constant 0 : i32
    %c0_i32_0 = arith.constant 0 : i32
    %c0_i32_1 = arith.constant 0 : i32
    return %c0_i32, %c0_i32_0 : i32, i32
  }
  func.func @transform_9(%arg0: i32) -> (i32, i32) {
    %c0_i32 = arith.constant 0 : i32
    %c0_i32_0 = arith.constant 0 : i32
    return %arg0, %c0_i32 : i32, i32
  }
}

module attributes {stable_mosaic.version = 14 : i64} {
  func.func @_tc2_body(%arg0: i32, %arg1: memref<400x128xf32, #tpu.memory_space<vmem>>, %arg2: memref<400x128xf32, #tpu.memory_space<vmem>>, %arg3: memref<400x128xf32, #tpu.memory_space<vmem>>, %arg4: memref<128x128xf32, #tpu.memory_space<vmem>>, %arg5: memref<128x128xf32, #tpu.memory_space<vmem>>, %arg6: memref<1x128xf32, #tpu.memory_space<vmem>>, %arg7: memref<400x128xf32, #tpu.memory_space<vmem>>) attributes {dimension_semantics = [#tpu.dimension_semantics<arbitrary>], iteration_bounds = array<i64: 25>, scalar_prefetch = 0 : i64, scratch_operands = 0 : i64, tpu.core_type = #tpu.core_type<tc>, window_params = [{transform_indices = @transform_0, window_bounds = array<i64: 400, 128>}, {transform_indices = @transform_1, window_bounds = array<i64: 400, 128>}, {transform_indices = @transform_2, window_bounds = array<i64: 400, 128>}, {pipeline_mode = #tpu.pipeline_mode<synchronous>, transform_indices = @transform_3, window_bounds = array<i64: 128, 128>}, {pipeline_mode = #tpu.pipeline_mode<synchronous>, transform_indices = @transform_4, window_bounds = array<i64: 128, 128>}, {pipeline_mode = #tpu.pipeline_mode<synchronous>, transform_indices = @transform_5, window_bounds = array<i64: 1, 128>}, {transform_indices = @transform_6, window_bounds = array<i64: 400, 128>}]} {
    %get3A = arith.constant 0 : index
    %get3A_0 = arith.constant 0 : index
    %get3A_1 = vector.load %arg1[%get3A, %get3A_0] : memref<400x128xf32, #tpu.memory_space<vmem>>, vector<400x128xf32>
    %get3A_2 = arith.constant 0 : index
    %get3A_3 = arith.constant 0 : index
    %get3A_4 = vector.load %arg2[%get3A_2, %get3A_3] : memref<400x128xf32, #tpu.memory_space<vmem>>, vector<400x128xf32>
    %add3A = arith.addf %get3A_1, %get3A_4 : vector<400x128xf32>
    %get3A_5 = arith.constant 0 : index
    %get3A_6 = arith.constant 0 : index
    %get3A_7 = vector.load %arg4[%get3A_5, %get3A_6] : memref<128x128xf32, #tpu.memory_space<vmem>>, vector<128x128xf32>
    %dot_general3A = arith.constant dense<0.000000e+00> : vector<400x128xf32>
    %dot_general3A_8 = tpu.matmul %add3A, %get3A_7, %dot_general3A {dimension_numbers = #tpu.dot_dimension_numbers<[1], [0], [0], [1], [0, 0, 1, 1], [], []>, transpose_lhs_hint = false} : vector<400x128xf32>, vector<128x128xf32>, vector<400x128xf32> -> vector<400x128xf32>
    %get3A_9 = arith.constant 0 : index
    %get3A_10 = arith.constant 0 : index
    %get3A_11 = vector.load %arg3[%get3A_9, %get3A_10] : memref<400x128xf32, #tpu.memory_space<vmem>>, vector<400x128xf32>
    %get3A_12 = arith.constant 0 : index
    %get3A_13 = arith.constant 0 : index
    %get3A_14 = vector.load %arg5[%get3A_12, %get3A_13] : memref<128x128xf32, #tpu.memory_space<vmem>>, vector<128x128xf32>
    %dot_general3A_15 = arith.constant dense<0.000000e+00> : vector<400x128xf32>
    %dot_general3A_16 = tpu.matmul %get3A_11, %get3A_14, %dot_general3A_15 {dimension_numbers = #tpu.dot_dimension_numbers<[1], [0], [0], [1], [0, 0, 1, 1], [], []>, transpose_lhs_hint = false} : vector<400x128xf32>, vector<128x128xf32>, vector<400x128xf32> -> vector<400x128xf32>
    %add3A_17 = arith.addf %dot_general3A_8, %dot_general3A_16 : vector<400x128xf32>
    %get3A_18 = arith.constant 0 : index
    %get3A_19 = arith.constant 0 : index
    %get3A_20 = vector.load %arg6[%get3A_18, %get3A_19] : memref<1x128xf32, #tpu.memory_space<vmem>>, vector<1x128xf32>
    %add3A_21 = vector.broadcast %get3A_20 : vector<1x128xf32> to vector<400x128xf32>
    %add3A_22 = arith.addf %add3A_17, %add3A_21 : vector<400x128xf32>
    %swap3A = arith.constant 0 : index
    %swap3A_23 = arith.constant 0 : index
    %swap3A_24 = vector.load %arg7[%swap3A, %swap3A_23] : memref<400x128xf32, #tpu.memory_space<vmem>>, vector<400x128xf32>
    tpu.vector_store %arg7[%swap3A, %swap3A_23], %add3A_22 {strides = array<i32>} : memref<400x128xf32, #tpu.memory_space<vmem>>, vector<400x128xf32>,
    return
  }
  func.func @transform_0(%arg0: i32) -> (i32, i32) {
    %c0_i32 = arith.constant 0 : i32
    %c0_i32_0 = arith.constant 0 : i32
    return %arg0, %c0_i32 : i32, i32
  }
  func.func @transform_1(%arg0: i32) -> (i32, i32) {
    %c0_i32 = arith.constant 0 : i32
    %c0_i32_0 = arith.constant 0 : i32
    return %arg0, %c0_i32 : i32, i32
  }
  func.func @transform_2(%arg0: i32) -> (i32, i32) {
    %c0_i32 = arith.constant 0 : i32
    %c0_i32_0 = arith.constant 0 : i32
    return %arg0, %c0_i32 : i32, i32
  }
  func.func @transform_3(%arg0: i32) -> (i32, i32) {
    %c0_i32 = arith.constant 0 : i32
    %c0_i32_0 = arith.constant 0 : i32
    %c0_i32_1 = arith.constant 0 : i32
    return %c0_i32, %c0_i32_0 : i32, i32
  }
  func.func @transform_4(%arg0: i32) -> (i32, i32) {
    %c0_i32 = arith.constant 0 : i32
    %c0_i32_0 = arith.constant 0 : i32
    %c0_i32_1 = arith.constant 0 : i32
    return %c0_i32, %c0_i32_0 : i32, i32
  }
  func.func @transform_5(%arg0: i32) -> (i32, i32) {
    %c0_i32 = arith.constant 0 : i32
    %c0_i32_0 = arith.constant 0 : i32
    %c0_i32_1 = arith.constant 0 : i32
    return %c0_i32, %c0_i32_0 : i32, i32
  }
  func.func @transform_6(%arg0: i32) -> (i32, i32) {
    %c0_i32 = arith.constant 0 : i32
    %c0_i32_0 = arith.constant 0 : i32
    return %arg0, %c0_i32 : i32, i32
  }
}

</mosaic_0001>

<sc_bundles>
// kernel: kernel.6.cloned.1.call-start
scs
__scs_entry_jumppad:
0x0: {  	(pc) =	sbr.rel $0x88, $3  }
0x1: {  	(tag) =	ssettag $0x0;
	lr =	simm.s32 $0x1  }
0x2: {  	[smem:$0x3F98] =	sst lr;
	_ =	strace $0xD0000000  }
0x3: {  	_ = 	snop  }
0x4: {  	_ = 	snop  }
0x5: {  	_ = 	snop  }
0x6: {  	_ = 	snop  }
0x7: {  	_ = 	snop  }
__scs_overlays_trampoline_lowered:
0x8: {  	[smem:$0x3FA7] =	sst s0  }
0x9: {  	[smem:$0x3FA8] =	sst s1  }
0xa: {  	[smem:$0x3FA9] =	sst s2  }
0xb: {  	[smem:$0x3FAA] =	sst s3  }
0xc: {  	[smem:$0x3FAB] =	sst s4  }
0xd: {  	[smem:$0x3FAC] =	sst s5  }
0xe: {  	[smem:$0x3FAD] =	sst s6  }
0xf: {  	[smem:$0x3FAE] =	sst s7  }
0x10: {  	[smem:$0x3FAF] =	sst s8  }
0x11: {  	[smem:$0x3FB0] =	sst s9;
	s0 =	simm.s32 @!p0 $0x0  }
0x12: {  	s1 =	sld [smem:$0x3F96];
	s0 =	simm.s32 @p0 $0x1  }
0x13: {  	[smem:$0x3FB1] =	sst s0;
	s0 =	simm.s32 @!p1 $0x0  }
0x14: {  	s2 =	sld [smem:$0x3F95];
	s0 =	simm.s32 @p1 $0x1  }
0x15: {  	[smem:$0x3FB2] =	sst s0;
	s0 =	simm.s32 @!p2 $0x0  }
0x16: {  	s3 =	sld [smem:$0x3FDB];
	s0 =	simm.s32 @p2 $0x1  }
0x17: {  	s4 =	simm.s32 $0x1BF5;
	[smem:$0x3FB4] =	sst s0  }
0x18: {  	s0 =	sld [smem:$0x3F97];
	_ =	swait.ge [sflag:s4], $0x0  }
0x19: {  	s7 =	sld [smem:$0x3F98]  }
0x1a: {  	s8 =	sadd.s32 $0xFFFFE003, lr  }
0x1b: {  	s9 =	sadd.s32 $0xFFFFFEF7, lr;
	s5 =	simm.s32 $0xFFFFFFFF;
	p2 =	slt.u32 s8, $0xFFFFF086  }
0x1c: {  	p1 =	slt.u32 s9, $0xF7A;
	s5 =	simm.s32 @!p2 $0x0  }
0x1d: {  	s5 =	simm.s32 @p1 $0x1;
	p0 =	seq.s32 s7, s2  }
0x1e: {  	s7 =	smul.u32 @!p0 $0xF7A, s2;
	p2 =	seq.s32 @!p0 s5, $0x0  }
0x1f: {  	s9 =	smul.u32 $0xF7A, s1;
	s8 =	simm.s32 @!p0 $0x1BF5;
	p2 =	por !p2, p0  }
0x20: {  	[sflag:s8] =	ssyncset.s32 @!p0 $0xFFFFF086;
	s6 =	sadd.s32 @!p0 s3, s7;
	s7 =	simm.s32 @!p0 $0x108  }
0x21: {  	s3 =	sadd.s32 s3, s9;
	s6 =	sadd.s32 @!p0 $0x88, s6;
	s7 =	simm.s32 @p2 $0x1082  }
0x22: {  	[simem:s7], [sflag:s8] =	dma.local @!p0 [hbm:s6], $0xF7A  }
0x23: {  	s9 =	sor.u32 $0xD0000000, s2;
	s6 =	simm.s32 $0x108;
	_ =	swait.ge @!p0 [sflag:s8], $0x0  }
0x24: {  	s3 =	sadd.s32 $0x88, s3;
	s6 =	simm.s32 @!p1 $0x1082;
	[sflag:s4] =	ssyncset.s32 $0xFFFFF086  }
0x25: {  	[simem:s6], [sflag:s4] =	dma.local [hbm:s3], $0xF7A  }
0x26: {  	[smem:$0x3F98] =	sst s1;
	(tag) =	ssettag s2;
	_ =	strace s9  }
0x27: {  	s1 =	sld [smem:$0x3FA8]  }
0x28: {  	s2 =	sld [smem:$0x3FA9]  }
0x29: {  	s4 =	sld [smem:$0x3FAB]  }
0x2a: {  	p0 =	seq.s32 s5, $0x0;
	s5 =	sld [smem:$0x3FAC]  }
0x2b: {  	s6 =	sld [smem:$0x3FAD]  }
0x2c: {  	s7 =	sld [smem:$0x3FAE]  }
0x2d: {  	s3 =	simm.s32 $0x108;
	s8 =	sld [smem:$0x3FAF]  }
0x2e: {  	s3 =	simm.s32 @!p0 $0x1082;
	s9 =	sld [smem:$0x3FB0]  }
0x2f: {  	lr =	sadd.s32 s0, s3;
	s0 =	sld [smem:$0x3FA7]  }
0x30: {  	s3 =	sld [smem:$0x3FAA]  }
0x31: {  	[smem:$0x3FB3] =	sst s10  }
0x32: {  	s10 =	sld [smem:$0x3FB1];
	_ =	sdelay $0x3  }
0x33: {  	p0 =	seq.s32 s10, $0x1;
	s10 =	sld [smem:$0x3FB3];
	_ =	sdelay $0x3  }
0x34: {  	[smem:$0x3FB3] =	sst s10  }
0x35: {  	s10 =	sld [smem:$0x3FB2];
	_ =	sdelay $0x3  }
0x36: {  	p1 =	seq.s32 s10, $0x1;
	s10 =	sld [smem:$0x3FB3];
	_ =	sdelay $0x3  }
0x37: {  	[smem:$0x3FB3] =	sst s10  }
0x38: {  	s10 =	sld [smem:$0x3FB4]  }
0x39: {  	_ = 	snop;
	(pc) =	sbr.ind lr, $3  }
0x3a: {  	_ = 	snop  }
0x3b: {  	_ = 	snop  }
0x3c: {  	p2 =	seq.s32 s10, $0x1;
	s10 =	sld [smem:$0x3FB3]  }
0x3d: {  	_ =	shalt  }
0x3e: {  	_ =	shalt  }
0x3f: {  	_ =	shalt  }
0x40: {  	_ =	shalt  }
0x41: {  	_ =	shalt  }
0x42: {  	_ =	shalt  }
0x43: {  	_ =	shalt  }
0x44: {  	_ =	shalt  }
0x45: {  	_ =	shalt  }
0x46: {  	_ =	shalt  }
0x47: {  	_ =	shalt  }
0x48: {  	_ =	shalt  }
0x49: {  	_ =	shalt  }
0x4a: {  	_ =	shalt  }
0x4b: {  	_ =	shalt  }
0x4c: {  	_ =	shalt  }
0x4d: {  	_ =	shalt  }
0x4e: {  	_ =	shalt  }
0x4f: {  	_ =	shalt  }
0x50: {  	_ =	shalt  }
0x51: {  	_ =	shalt  }
0x52: {  	_ =	shalt  }
0x53: {  	_ =	shalt  }
0x54: {  	_ =	shalt  }
0x55: {  	_ =	shalt  }
0x56: {  	_ =	shalt  }
0x57: {  	_ =	shalt  }
0x58: {  	_ =	shalt  }
0x59: {  	_ =	shalt  }
0x5a: {  	_ =	shalt  }
0x5b: {  	_ =	shalt  }
0x5c: {  	_ =	shalt  }
0x5d: {  	_ =	shalt  }
0x5e: {  	_ =	shalt  }
0x5f: {  	_ =	shalt  }
0x60: {  	_ =	shalt  }
0x61: {  	_ =	shalt  }
0x62: {  	_ =	shalt  }
0x63: {  	_ =	shalt  }
0x64: {  	_ =	shalt  }
0x65: {  	_ =	shalt  }
0x66: {  	_ =	shalt  }
0x67: {  	_ =	shalt  }
0x68: {  	_ =	shalt  }
0x69: {  	_ =	shalt  }
0x6a: {  	_ =	shalt  }
0x6b: {  	_ =	shalt  }
0x6c: {  	_ =	shalt  }
0x6d: {  	_ =	shalt  }
0x6e: {  	_ =	shalt  }
0x6f: {  	_ =	shalt  }
0x70: {  	_ =	shalt  }
0x71: {  	_ =	shalt  }
0x72: {  	_ =	shalt  }
0x73: {  	_ =	shalt  }
0x74: {  	_ =	shalt  }
0x75: {  	_ =	shalt  }
0x76: {  	_ =	shalt  }
0x77: {  	_ =	shalt  }
0x78: {  	_ =	shalt  }
0x79: {  	_ =	shalt  }
0x7a: {  	_ =	shalt  }
0x7b: {  	_ =	shalt  }
0x7c: {  	_ =	shalt  }
0x7d: {  	_ =	shalt  }
0x7e: {  	_ =	shalt  }
0x7f: {  	_ =	shalt  }
0x80: {  	_ =	shalt  }
0x81: {  	_ =	shalt  }
0x82: {  	_ =	shalt  }
0x83: {  	_ =	shalt  }
0x84: {  	_ =	shalt  }
0x85: {  	_ =	shalt  }
0x86: {  	_ =	shalt  }
0x87: {  	_ =	shalt  }
.Lfunc_end0:
.L_simem_size_0:
called_computation_lowered:
.L_overlay_start_0:
0x88: {  	s2 =	sld [smem:$0x3FD9]  }
0x89: {  	s3 =	sld [smem:$0x3FFE];
	_ =	sdelay $0x1  }
0x8a: {  	s1 =	srdreg.scid  }
0x8b: {  	s0 =	sand.u32 $0x1, s1  }
0x8c: {  	s17 =	sshll.u32 s0, $0xA;
	s2 =	sadd.s32 s3, s2  }
0x8d: {  	s2 =	sadd.s32 s2, s17  }
0x8e: {  	[smem:$0x3FBF] =	sst s2  }
0x8f: {  	_ = 	snop  }
0x90: {  	s2 =	sld [smem:$0x3FC9]  }
0x91: {  	s18 =	sld [smem:$0x3FD0];
	(tm) =	ssettm $0x1  }
0x92: {  	s4 =	sld [smem:$0x3FFB];
	_ =	sdelay $0x3  }
0x93: {  	_ =	strace s4  }
0x94: {  	s4 =	sld [smem:$0x3FFC];
	_ =	sdelay $0x3  }
0x95: {  	_ =	strace s4  }
0x96: {  	s4 =	sld [smem:$0x3FFD];
	_ =	sdelay $0x3  }
0x97: {  	_ =	strace s4  }
0x98: {  	_ =	strace $0x8FFFFFFF  }
0x99: {  	s19 =	sld [smem:$0x3FDB];
	_ =	sdelay $0x1  }
0x9a: {  	s5 =	simm.s32 $_scs_section_size  }
0x9b: {  	s6 =	simm.s32 $_size__tile_overlayer_lowered;
	s7 =	simm.s32 $_tile_overlayer_lowered  }
0x9c: {  	s22 =	simm.s32 $0x1BFF;
	s21 =	sshll.u32 s7, $0x1;
	s4 =	sadd.s32 s5, s19  }
0x9d: {  	s8 =	simm.s32 $0x0;
	s20 =	sshll.u32 s6, $0x1;
	s6 =	sadd.s32 s21, s4  }
0x9e: {  	[timem:s8], [sflag:s22] =	dma.local [hbm:s6], s20  }
0x9f: {  	_ =	swait.ge [sflag:s22], s20  }
0xa0: {  	s5 =	ssub.s32 $0x0, s20;
	[sflag:s22] =	ssyncset.done $0x0  }
0xa1: {  	[sflag:s22] =	ssyncadd.s32 s5;
	_ =	sdelay $0x1  }
0xa2: {  	s23 =	simm.s32 $0x1B8B  }
0xa3: {  	_ =	swait.ge [sflag:s23], $0x1  }
0xa4: {  	[sflag:s23] =	ssyncset.done $0x0  }
0xa5: {  	s25 =	simm.s32 $0x1B8E;
	s24 =	sld [smem:$0x3FFE];
	[sflag:s23] =	ssyncadd.s32 $0xFFFFFFFF  }
0xa6: {  	s26 =	simm.s32 $execute0_lowered;
	[smem:$0x3FD2] =	sst s25  }
0xa7: {  	s6 =	sshll.u32 s26, $0x1;
	_ =	strace $0x80000046;
	[dreg:$0x1] =	wrdreg $0xFFFFFFFF  }
0xa8: {  	s28 =	simm.s32 $_size_execute0_lowered;
	s4 =	sadd.s32 s4, s6;
	[dreg:$0x0] =	wrdreg $0x0  }
0xa9: {  	s6 =	sshll.u32 s28, $0x1;
	[dreg:$0x2] =	wrdreg s4  }
0xaa: {  	[dreg:$0x3] =	wrdreg s6  }
0xab: {  	[dreg:$0x4] =	wrdreg $0xC0  }
0xac: {  	_ =	task [dreg:s8], $0x5FFFF  }
0xad: {  	[dreg:$0x1] =	wrdreg $0xFFFFFFFF  }
0xae: {  	[dreg:$0x0] =	wrdreg $0x60  }
0xaf: {  	[dreg:$0x2] =	wrdreg s2  }
0xb0: {  	[dreg:$0x3] =	wrdreg s24  }
0xb1: {  	[dreg:$0x4] =	wrdreg s18  }
0xb2: {  	[dreg:$0x5] =	wrdreg $0x51000  }
0xb3: {  	[dreg:$0x6] =	wrdreg $0x18D000  }
0xb4: {  	[dreg:$0x7] =	wrdreg $0x9  }
0xb5: {  	_ =	task.clear_ibuf [dreg:s8], $0x8FFFF;
	_ =	strace $0x90000046  }
0xb6: {  	s29 =	simm.s32 $0x9;
	_ =	strace $0x80000048  }
0xb7: {  	_ =	swait.ge [sflag:s29], $0x1  }
0xb8: {  	[sflag:s29] =	ssyncadd.s32 $0xFFFFFFFF  }
0xb9: {  	_ =	strace $0x90000048  }
0xba: {  	_ =	sfence  }
0xbb: {  	s30 =	sld [smem:$0x0];
	_ =	sdelay $0x2  }
0xbc: {  	s31 =	sshll.u32 s1, $0xD;
	s1 =	sshrl.u32 s1, $0x2  }
0xbd: {  	s3 =	sand.u32 $0x4000, s31;
	s1 =	sadd.s32 s1, s30  }
0xbe: {  	s0 =	sor.u32 s3, s0;
	s1 =	sshll.u32 s1, $0x11  }
0xbf: {  	s0 =	sor.u32 s1, s0  }
0xc0: {  	s0 =	sadd.s32 $0x8F2B, s0  }
0xc1: {  	[sflag:s0] =	ssyncadd.remote.s32 $0x1  }
0xc2: {  	_ =	sfence.sel $0xFFFF  }
0xc3: {  	[dreg:$0x0] =	wrdreg $0xFFFFFFFF;
	(pc) =	sbr.abs _section_cstart, $3  }
0xc4: {  	[dreg:$0x1] =	wrdreg $0xFFFFFFFF  }
0xc5: {  	_ =	task.clear_ibuf [dreg:s8], $0x2FFFF;
	_ =	strace $0x9FFFFFFF  }
0xc6: {  	(tm) =	ssettm $0x7FFFFFFF  }
0xc7: {  	_ =	shalt  }
tec
execute0_lowered:
.L_overlay_start_1:
0x0: {  	(tag) =	ssettag $0x1  }
0x1: {  	s0 =	rddreg [dreg:$0x0]  }
0x2: {  	s1 =	srdreg.scid;
	s3 =	rddreg [dreg:$0x1];
	s2 =	simm.s32 $0x0  }
0x3: {  	s8 =	stileid.u32;
	s4 =	sand.u32 $0x1, s1;
	[smem:$0x7FF] =	sst s2  }
0x4: {  	s6 =	sadd.s32 $0x43600, s3;
	s7 =	sadd.s32 $0x92600, s3;
	s21 =	sshll.u32 s8, $0xB  }
0x5: {  	s9 =	sor.u32 $0x10, s8;
	s11 =	sor.u32 $0x20, s8;
	s12 =	sor.u32 $0x30, s8  }
0x6: {  	s14 =	sor.u32 $0x40, s8;
	s18 =	smul.u32 $0x4F00, s8;
	p0 =	seq.s32 s8, $0xF  }
0x7: {  	s1 =	ssub.s32 $0x2, s4;
	s10 =	sshll.u32 s9, $0xE;
	s9 =	sshll.u32 s9, $0xB  }
0x8: {  	s24 =	sshll.u32 s11, $0xE;
	s13 =	smul.u32 $0x13C000, s4;
	s11 =	sshll.u32 s11, $0xB  }
0x9: {  	s26 =	sshll.u32 s12, $0xE;
	s28 =	sshll.u32 s12, $0xB;
	s29 =	sshll.u32 s14, $0xE  }
0xa: {  	s30 =	sshll.u32 s14, $0xB;
	s14 =	smul.u32 $0x27800, s4;
	s5 =	sshrl.u32 s1, $0x1  }
0xb: {  	s4 =	smul.u32 $0x4F000, s4;
	s1 =	ssub.s32 s1, s5;
	s5 =	sshll.u32 s8, $0xE  }
0xc: {  	s25 =	sadd.s32 s13, s10;
	s15 =	sadd.s32 s21, s14;
	s16 =	sadd.s32 s13, s24  }
0xd: {  	s17 =	sadd.s32 s13, s26;
	s19 =	sadd.s32 s14, s9;
	s4 =	sadd.s32 s18, s4  }
0xe: {  	s20 =	sadd.s32 s14, s11;
	s18 =	sadd.s32 $0x3E400, s3;
	s23 =	sadd.s32 s5, s13  }
0xf: {  	s15 =	sshrl.u32 s15, $0x3;
	s16 =	sshrl.u32 s16, $0x3;
	s12 =	sshrl.u32 s23, $0x3  }
0x10: {  	s13 =	sadd.s32 s13, s29;
	s4 =	sshrl.u32 s4, $0x3;
	s12 =	sadd.s32 s6, s12  }
0x11: {  	s22 =	sadd.s32 s7, s15;
	[dreg:$0x6] =	wrdreg s12;
	s12 =	sshrl.u32 s25, $0x3  }
0x12: {  	s31 =	smax.u32 s1, $0x1;
	[dreg:$0xb] =	wrdreg s22;
	s12 =	sadd.s32 s6, s12  }
0x13: {  	s1 =	simm.s32 $0x1;
	[dreg:$0x7] =	wrdreg s12;
	s12 =	sadd.s32 s6, s16  }
0x14: {  	s13 =	sshrl.u32 s13, $0x3;
	[dreg:$0x8] =	wrdreg s12;
	s12 =	sshrl.u32 s17, $0x3  }
0x15: {  	s23 =	sshrl.u32 s20, $0x3;
	s25 =	rddreg [dreg:$0x2];
	s12 =	sadd.s32 s6, s12  }
0x16: {  	s17 =	smul.u32 $0x9E0, s8;
	s6 =	sadd.s32 s6, s13;
	[dreg:$0x9] =	wrdreg s12  }
0x17: {  	s8 =	simm.s32 $0x0;
	s13 =	sadd.s32 s14, s28;
	[dreg:$0xa] =	wrdreg s6  }
0x18: {  	s14 =	sadd.s32 s14, s30;
	s6 =	sshrl.u32 s19, $0x3;
	s12 =	rddreg [dreg:$0x3]  }
0x19: {  	s15 =	sshrl.u32 s13, $0x3;
	s16 =	sshrl.u32 s14, $0x3;
	s14 =	rddreg [dreg:$0x4]  }
0x1a: {  	s17 =	sadd.s32 s17, s3;
	s19 =	sadd.s32 $0x43400, s3;
	s6 =	sadd.s32 s7, s6  }
0x1b: {  	s13 =	sadd.s32 s7, s15;
	s20 =	sadd.s32 s5, s12;
	s21 =	sadd.s32 s21, s14  }
0x1c: {  	s22 =	sadd.s32 s10, s12;
	s24 =	sadd.s32 s24, s12;
	s26 =	sadd.s32 s26, s12  }
0x1d: {  	s28 =	sadd.s32 s28, s14;
	s29 =	sadd.s32 s29, s12;
	s30 =	sadd.s32 s30, s14  }
0x1e: {  	s5 =	simm.s32 $0x4000;
	[dreg:$0xc] =	wrdreg s6;
	s6 =	sadd.s32 s7, s23  }
0x1f: {  	[dreg:$0xe] =	wrdreg s13;
	s7 =	sadd.s32 s7, s16;
	s16 =	sadd.s32 s4, s25  }
0x20: {  	s25 =	sadd.s32 $0x16C00, s3;
	s23 =	sadd.s32 s9, s14;
	[dreg:$0xd] =	wrdreg s6  }
0x21: {  	s3 =	simm.s32 $0x4900;
	s4 =	simm.s32 $0x4100;
	[dreg:$0xf] =	wrdreg s7  }
0x22: {  	s6 =	simm.s32 $0x4080;
	s7 =	simm.s32 $0x80;
	_ =	strace $0x80000047  }
0x23: {  	[dreg:$0x10] =	wrdreg s25;
	s25 =	sadd.s32 s11, s14;
	s11 =	sadd.s32 $0x3000, s17  }
.LBB2_1:
0x24: {  	s9 =	rddreg [dreg:$0x10]  }
0x25: {  	[tilespmem:s2], [sflag:$0x1] =	stream.linear.gather [hbm4b:s9+s2], $0x4000, $0x38;
	[tilespmem:$0x1B480] =	vst v63  }
0x26: {  	_ =	swait.ge [sflag:s1], $0x4000  }
0x27: {  	[sflag:s1] =	ssyncset.done $0x0  }
0x28: {  	[sflag:s1] =	ssyncadd.s32 $0xFFFFC000  }
0x29: {  	[tilespmem:s3], [sflag:$0x1] =	stream.linear.gather [hbm4b:s18+s2], $0x800, $0x38;
	[tilespmem:$0x1B480] =	vst v63  }
0x2a: {  	_ =	swait.ge [sflag:s1], $0x800  }
0x2b: {  	[sflag:s1] =	ssyncset.done $0x0  }
0x2c: {  	[sflag:s1] =	ssyncadd.s32 $0xFFFFF800  }
0x2d: {  	[spmem:s20] =	stream.linear.scatter [tilespmem:s2], [sflag:$0x1], $0x4000, $0x38;
	[tilespmem:$0x1B480] =	vst v63  }
0x2e: {  	_ =	swait.ge [sflag:s1], $0x4000  }
0x2f: {  	[sflag:s1] =	ssyncset.done $0x0  }
0x30: {  	[sflag:s1] =	ssyncadd.s32 $0xFFFFC000  }
0x31: {  	[spmem:s21] =	stream.linear.scatter [tilespmem:s3], [sflag:$0x1], $0x800, $0x38;
	[tilespmem:$0x1B480] =	vst v63  }
0x32: {  	_ =	swait.ge [sflag:s1], $0x800  }
0x33: {  	[sflag:s1] =	ssyncset.done $0x0  }
0x34: {  	[sflag:s1] =	ssyncadd.s32 $0xFFFFF800  }
0x35: {  	[spmem:s22] =	stream.linear.scatter [tilespmem:s2], [sflag:$0x1], $0x4000, $0x38;
	[tilespmem:$0x1B480] =	vst v63  }
0x36: {  	_ =	swait.ge [sflag:s1], $0x4000  }
0x37: {  	[sflag:s1] =	ssyncset.done $0x0  }
0x38: {  	[sflag:s1] =	ssyncadd.s32 $0xFFFFC000  }
0x39: {  	[spmem:s23] =	stream.linear.scatter [tilespmem:s3], [sflag:$0x1], $0x800, $0x38;
	[tilespmem:$0x1B480] =	vst v63  }
0x3a: {  	_ =	swait.ge [sflag:s1], $0x800  }
0x3b: {  	[sflag:s1] =	ssyncset.done $0x0  }
0x3c: {  	[sflag:s1] =	ssyncadd.s32 $0xFFFFF800  }
0x3d: {  	[spmem:s24] =	stream.linear.scatter [tilespmem:s2], [sflag:$0x1], $0x4000, $0x38;
	[tilespmem:$0x1B480] =	vst v63  }
0x3e: {  	_ =	swait.ge [sflag:s1], $0x4000  }
0x3f: {  	[sflag:s1] =	ssyncset.done $0x0  }
0x40: {  	[sflag:s1] =	ssyncadd.s32 $0xFFFFC000  }
0x41: {  	[spmem:s25] =	stream.linear.scatter [tilespmem:s3], [sflag:$0x1], $0x800, $0x38;
	[tilespmem:$0x1B480] =	vst v63  }
0x42: {  	_ =	swait.ge [sflag:s1], $0x800  }
0x43: {  	[sflag:s1] =	ssyncset.done $0x0  }
0x44: {  	[sflag:s1] =	ssyncadd.s32 $0xFFFFF800  }
0x45: {  	[spmem:s26] =	stream.linear.scatter [tilespmem:s2], [sflag:$0x1], $0x4000, $0x38;
	[tilespmem:$0x1B480] =	vst v63  }
0x46: {  	_ =	swait.ge [sflag:s1], $0x4000  }
0x47: {  	[sflag:s1] =	ssyncset.done $0x0  }
0x48: {  	[sflag:s1] =	ssyncadd.s32 $0xFFFFC000  }
0x49: {  	[spmem:s28] =	stream.linear.scatter [tilespmem:s3], [sflag:$0x1], $0x800, $0x38;
	[tilespmem:$0x1B480] =	vst v63  }
0x4a: {  	_ =	swait.ge [sflag:s1], $0x800  }
0x4b: {  	[sflag:s1] =	ssyncset.done $0x0  }
0x4c: {  	s9 =	simm.s32 @!p0 $0x0;
	[sflag:s1] =	ssyncadd.s32 $0xFFFFF800  }
0x4d: {  	[spmem:s29] =	stream.linear.scatter @!p0 [tilespmem:s9], [sflag:$0x1], $0x4000, $0x38;
	[tilespmem:$0x1B480] =	vst v63  }
0x4e: {  	s9 =	simm.s32 @!p0 $0x1  }
0x4f: {  	_ =	swait.ge @!p0 [sflag:s9], $0x4000  }
0x50: {  	[sflag:s9] =	ssyncset.done @!p0 $0x0  }
0x51: {  	s10 =	simm.s32 @!p0 $0x4900;
	[sflag:s9] =	ssyncadd.s32 @!p0 $0xFFFFC000  }
0x52: {  	[spmem:s30] =	stream.linear.scatter @!p0 [tilespmem:s10], [sflag:$0x1], $0x800, $0x38;
	[tilespmem:$0x1B480] =	vst v63  }
0x53: {  	_ =	swait.ge @!p0 [sflag:s9], $0x800  }
0x54: {  	[sflag:s9] =	ssyncset.done @!p0 $0x0  }
0x55: {  	[sflag:s9] =	ssyncadd.s32 @!p0 $0xFFFFF800  }
0x56: {  	[tilespmem:s4], [sflag:$0x1] =	stream.linear.gather [hbm4b:s19+s2], $0x800, $0x38;
	[tilespmem:$0x1B480] =	vst v63  }
0x57: {  	_ =	swait.ge [sflag:s1], $0x800  }
0x58: {  	[sflag:s1] =	ssyncset.done $0x0  }
0x59: {  	[sflag:s1] =	ssyncadd.s32 $0xFFFFF800  }
0x5a: {  	s15 =	sadd.s32 $0x0, s11;
	[bflag:$0x0] =	sbarrier.arrive $0xFFFF  }
0x5b: {  	[tilespmem:s5], [sflag:$0x1] =	stream.linear.gather [hbm4b:s15+s2], $0x80, $0x38;
	[tilespmem:$0x1B480] =	vst v63  }
0x5c: {  	_ =	swait.ge [sflag:s1], $0x80  }
0x5d: {  	[sflag:s1] =	ssyncset.done $0x0  }
0x5e: {  	s17 =	sadd.s32 $0x0, s16;
	[sflag:s1] =	ssyncadd.s32 $0xFFFFFF80  }
0x5f: {  	[tilespmem:s6], [sflag:$0x1] =	stream.linear.gather [hbm4b:s17+s2], $0x80, $0x38;
	[tilespmem:$0x1B480] =	vst v63  }
0x60: {  	_ =	swait.ge [sflag:s1], $0x80  }
0x61: {  	[sflag:s1] =	ssyncset.done $0x0  }
0x62: {  	[sflag:s1] =	ssyncadd.s32 $0xFFFFFF80  }
0x63: {  	[tilespmem:s2], [sflag:$0x1] =	stream.indirect.gather [hbm4b:s0+s7], $0x80, s5, s7, $0xb8;
	[tilespmem:$0x1B480] =	vst v63  }
0x64: {  	_ =	swait.ge [sflag:s1], $0x4000  }
0x65: {  	[sflag:s1] =	ssyncset.done $0x0  }
0x66: {  	[sflag:s1] =	ssyncadd.s32 $0xFFFFC000  }
0x67: {  	[spmem:s12] =	stream.indirect.scatter.add.f32 [tilespmem:s2], [sflag:$0x1], $0x80, s6, s7, $0xb8;
	[tilespmem:$0x1B480] =	vst v63  }
0x68: {  	_ =	swait.ge [sflag:s1], $0x4000  }
0x69: {  	[sflag:s1] =	ssyncset.done $0x0  }
0x6a: {  	[sflag:s1] =	ssyncadd.s32 $0xFFFFC000  }
0x6b: {  	[spmem:s14] =	stream.indirect.scatter.add.f32 [tilespmem:s4], [sflag:$0x1], $0x10, s6, s7, $0xb8;
	[tilespmem:$0x1B480] =	vst v63  }
0x6c: {  	_ =	swait.ge [sflag:s1], $0x800  }
0x6d: {  	s10 =	simm.s32 $0x20;
	s9 =	simm.s32 $0x10;
	[sflag:s1] =	ssyncset.done $0x0  }
.LBB2_2:
0x6e: {  	s13 =	sadd.s32 s9, s11  }
0x6f: {  	[sflag:s1] =	ssyncadd.s32 $0xFFFFF800;
	s15 =	smov.u32 s10;
	s17 =	sadd.s32 $0x10, s10  }
0x70: {  	[tilespmem:s5], [sflag:$0x1] =	stream.linear.gather [hbm4b:s13+s2], $0x80, $0x38;
	[tilespmem:$0x1B480] =	vst v63  }
0x71: {  	p1 =	sne.s32 s10, $0x9D0;
	_ =	swait.ge [sflag:s1], $0x80  }
0x72: {  	[sflag:s1] =	ssyncset.done $0x0  }
0x73: {  	s10 =	sadd.s32 s9, s16;
	s9 =	smov.u32 s15;
	[sflag:s1] =	ssyncadd.s32 $0xFFFFFF80  }
0x74: {  	[tilespmem:s6], [sflag:$0x1] =	stream.linear.gather [hbm4b:s10+s2], $0x80, $0x38;
	[tilespmem:$0x1B480] =	vst v63  }
0x75: {  	_ =	swait.ge [sflag:s1], $0x80  }
0x76: {  	[sflag:s1] =	ssyncset.done $0x0  }
0x77: {  	[sflag:s1] =	ssyncadd.s32 $0xFFFFFF80  }
0x78: {  	[tilespmem:s2], [sflag:$0x1] =	stream.indirect.gather [hbm4b:s0+s7], $0x80, s5, s7, $0xb8;
	[tilespmem:$0x1B480] =	vst v63  }
0x79: {  	_ =	swait.ge [sflag:s1], $0x4000  }
0x7a: {  	[sflag:s1] =	ssyncset.done $0x0  }
0x7b: {  	[sflag:s1] =	ssyncadd.s32 $0xFFFFC000  }
0x7c: {  	[spmem:s12] =	stream.indirect.scatter.add.f32 [tilespmem:s2], [sflag:$0x1], $0x80, s6, s7, $0xb8;
	[tilespmem:$0x1B480] =	vst v63  }
0x7d: {  	_ =	swait.ge [sflag:s1], $0x4000  }
.Ltmp0:
0x7e: {  	[sflag:s1] =	ssyncset.done $0x0;
	(pc) =	sbr.rel @p1 .LBB2_2-.Ltmp0, $4  }
0x7f: {  	[sflag:s1] =	ssyncadd.s32 $0xFFFFC000  }
0x80: {  	[spmem:s14] =	stream.indirect.scatter.add.f32 [tilespmem:s4], [sflag:$0x1], $0x10, s6, s7, $0xb8;
	[tilespmem:$0x1B480] =	vst v63  }
0x81: {  	_ =	swait.ge [sflag:s1], $0x800  }
0x82: {  	s10 =	smov.u32 s17;
	[sflag:s1] =	ssyncset.done $0x0  }
0x83: {  	s10 =	sadd.s32 s9, s11;
	[sflag:s1] =	ssyncadd.s32 $0xFFFFF800  }
0x84: {  	[tilespmem:s5], [sflag:$0x1] =	stream.linear.gather [hbm4b:s10+s2], $0x80, $0x38;
	[tilespmem:$0x1B480] =	vst v63  }
0x85: {  	_ =	swait.ge [sflag:s1], $0x80  }
0x86: {  	[sflag:s1] =	ssyncset.done $0x0  }
0x87: {  	s17 =	sadd.s32 s9, s16;
	[sflag:s1] =	ssyncadd.s32 $0xFFFFFF80  }
0x88: {  	[tilespmem:s6], [sflag:$0x1] =	stream.linear.gather [hbm4b:s17+s2], $0x80, $0x38;
	[tilespmem:$0x1B480] =	vst v63  }
0x89: {  	_ =	swait.ge [sflag:s1], $0x80  }
0x8a: {  	[sflag:s1] =	ssyncset.done $0x0  }
0x8b: {  	[sflag:s1] =	ssyncadd.s32 $0xFFFFFF80  }
0x8c: {  	[tilespmem:s2], [sflag:$0x1] =	stream.indirect.gather [hbm4b:s0+s7], $0x80, s5, s7, $0xb8;
	[tilespmem:$0x1B480] =	vst v63  }
0x8d: {  	_ =	swait.ge [sflag:s1], $0x4000  }
0x8e: {  	[sflag:s1] =	ssyncset.done $0x0  }
0x8f: {  	[sflag:s1] =	ssyncadd.s32 $0xFFFFC000  }
0x90: {  	[spmem:s12] =	stream.indirect.scatter.add.f32 [tilespmem:s2], [sflag:$0x1], $0x80, s6, s7, $0xb8;
	[tilespmem:$0x1B480] =	vst v63  }
0x91: {  	_ =	swait.ge [sflag:s1], $0x4000  }
0x92: {  	[sflag:s1] =	ssyncset.done $0x0  }
0x93: {  	[sflag:s1] =	ssyncadd.s32 $0xFFFFC000  }
0x94: {  	[spmem:s14] =	stream.indirect.scatter.add.f32 [tilespmem:s4], [sflag:$0x1], $0x10, s6, s7, $0xb8;
	[tilespmem:$0x1B480] =	vst v63  }
0x95: {  	_ =	swait.ge [sflag:s1], $0x800  }
0x96: {  	[sflag:s1] =	ssyncset.done $0x0  }
0x97: {  	[sflag:s1] =	ssyncadd.s32 $0xFFFFF800  }
0x98: {  	[bflag:$0x0] =	sbarrier.arrive $0xFFFF  }
0x99: {  	[tilespmem:s2], [sflag:$0x1] =	stream.linear.gather [spmem:s20], $0x4000, $0x38;
	[tilespmem:$0x1B480] =	vst v63  }
0x9a: {  	_ =	swait.ge [sflag:s1], $0x4000  }
0x9b: {  	[sflag:s1] =	ssyncset.done $0x0  }
0x9c: {  	s10 =	rddreg [dreg:$0x6];
	[sflag:s1] =	ssyncadd.s32 $0xFFFFC000  }
0x9d: {  	[hbm4b:s10+s2] =	stream.linear.scatter [tilespmem:s2], [sflag:$0x1], $0x4000, $0x38;
	[tilespmem:$0x1B480] =	vst v63  }
0x9e: {  	_ =	swait.ge [sflag:s1], $0x4000  }
0x9f: {  	[sflag:s1] =	ssyncset.done $0x0  }
0xa0: {  	[sflag:s1] =	ssyncadd.s32 $0xFFFFC000  }
0xa1: {  	[tilespmem:s3], [sflag:$0x1] =	stream.linear.gather [spmem:s21], $0x800, $0x38;
	[tilespmem:$0x1B480] =	vst v63  }
0xa2: {  	_ =	swait.ge [sflag:s1], $0x800  }
0xa3: {  	[sflag:s1] =	ssyncset.done $0x0  }
0xa4: {  	s13 =	rddreg [dreg:$0xb];
	[sflag:s1] =	ssyncadd.s32 $0xFFFFF800  }
0xa5: {  	[hbm4b:s13+s2] =	stream.linear.scatter [tilespmem:s3], [sflag:$0x1], $0x800, $0x38;
	[tilespmem:$0x1B480] =	vst v63  }
0xa6: {  	_ =	swait.ge [sflag:s1], $0x800  }
0xa7: {  	[sflag:s1] =	ssyncset.done $0x0  }
0xa8: {  	[sflag:s1] =	ssyncadd.s32 $0xFFFFF800  }
0xa9: {  	[tilespmem:s2], [sflag:$0x1] =	stream.linear.gather [spmem:s22], $0x4000, $0x38;
	[tilespmem:$0x1B480] =	vst v63  }
0xaa: {  	_ =	swait.ge [sflag:s1], $0x4000  }
0xab: {  	[sflag:s1] =	ssyncset.done $0x0  }
0xac: {  	s15 =	rddreg [dreg:$0x7];
	[sflag:s1] =	ssyncadd.s32 $0xFFFFC000  }
0xad: {  	[hbm4b:s15+s2] =	stream.linear.scatter [tilespmem:s2], [sflag:$0x1], $0x4000, $0x38;
	[tilespmem:$0x1B480] =	vst v63  }
0xae: {  	_ =	swait.ge [sflag:s1], $0x4000  }
0xaf: {  	[sflag:s1] =	ssyncset.done $0x0  }
0xb0: {  	[sflag:s1] =	ssyncadd.s32 $0xFFFFC000  }
0xb1: {  	[tilespmem:s3], [sflag:$0x1] =	stream.linear.gather [spmem:s23], $0x800, $0x38;
	[tilespmem:$0x1B480] =	vst v63  }
0xb2: {  	_ =	swait.ge [sflag:s1], $0x800  }
0xb3: {  	[sflag:s1] =	ssyncset.done $0x0  }
0xb4: {  	s17 =	rddreg [dreg:$0xc];
	[sflag:s1] =	ssyncadd.s32 $0xFFFFF800  }
0xb5: {  	[hbm4b:s17+s2] =	stream.linear.scatter [tilespmem:s3], [sflag:$0x1], $0x800, $0x38;
	[tilespmem:$0x1B480] =	vst v63  }
0xb6: {  	_ =	swait.ge [sflag:s1], $0x800  }
0xb7: {  	[sflag:s1] =	ssyncset.done $0x0  }
0xb8: {  	[sflag:s1] =	ssyncadd.s32 $0xFFFFF800  }
0xb9: {  	[tilespmem:s2], [sflag:$0x1] =	stream.linear.gather [spmem:s24], $0x4000, $0x38;
	[tilespmem:$0x1B480] =	vst v63  }
0xba: {  	_ =	swait.ge [sflag:s1], $0x4000  }
0xbb: {  	[sflag:s1] =	ssyncset.done $0x0  }
0xbc: {  	s10 =	rddreg [dreg:$0x8];
	[sflag:s1] =	ssyncadd.s32 $0xFFFFC000  }
0xbd: {  	[hbm4b:s10+s2] =	stream.linear.scatter [tilespmem:s2], [sflag:$0x1], $0x4000, $0x38;
	[tilespmem:$0x1B480] =	vst v63  }
0xbe: {  	_ =	swait.ge [sflag:s1], $0x4000  }
0xbf: {  	[sflag:s1] =	ssyncset.done $0x0  }
0xc0: {  	[sflag:s1] =	ssyncadd.s32 $0xFFFFC000  }
0xc1: {  	[tilespmem:s3], [sflag:$0x1] =	stream.linear.gather [spmem:s25], $0x800, $0x38;
	[tilespmem:$0x1B480] =	vst v63  }
0xc2: {  	_ =	swait.ge [sflag:s1], $0x800  }
0xc3: {  	[sflag:s1] =	ssyncset.done $0x0  }
0xc4: {  	s13 =	rddreg [dreg:$0xd];
	[sflag:s1] =	ssyncadd.s32 $0xFFFFF800  }
0xc5: {  	[hbm4b:s13+s2] =	stream.linear.scatter [tilespmem:s3], [sflag:$0x1], $0x800, $0x38;
	[tilespmem:$0x1B480] =	vst v63  }
0xc6: {  	_ =	swait.ge [sflag:s1], $0x800  }
0xc7: {  	[sflag:s1] =	ssyncset.done $0x0  }
0xc8: {  	[sflag:s1] =	ssyncadd.s32 $0xFFFFF800  }
0xc9: {  	[tilespmem:s2], [sflag:$0x1] =	stream.linear.gather [spmem:s26], $0x4000, $0x38;
	[tilespmem:$0x1B480] =	vst v63  }
0xca: {  	_ =	swait.ge [sflag:s1], $0x4000  }
0xcb: {  	[sflag:s1] =	ssyncset.done $0x0  }
0xcc: {  	s15 =	rddreg [dreg:$0x9];
	[sflag:s1] =	ssyncadd.s32 $0xFFFFC000  }
0xcd: {  	[hbm4b:s15+s2] =	stream.linear.scatter [tilespmem:s2], [sflag:$0x1], $0x4000, $0x38;
	[tilespmem:$0x1B480] =	vst v63  }
0xce: {  	_ =	swait.ge [sflag:s1], $0x4000  }
0xcf: {  	[sflag:s1] =	ssyncset.done $0x0  }
0xd0: {  	[sflag:s1] =	ssyncadd.s32 $0xFFFFC000  }
0xd1: {  	[tilespmem:s3], [sflag:$0x1] =	stream.linear.gather [spmem:s28], $0x800, $0x38;
	[tilespmem:$0x1B480] =	vst v63  }
0xd2: {  	_ =	swait.ge [sflag:s1], $0x800  }
0xd3: {  	[sflag:s1] =	ssyncset.done $0x0  }
0xd4: {  	s17 =	rddreg [dreg:$0xe];
	[sflag:s1] =	ssyncadd.s32 $0xFFFFF800  }
0xd5: {  	[hbm4b:s17+s2] =	stream.linear.scatter [tilespmem:s3], [sflag:$0x1], $0x800, $0x38;
	[tilespmem:$0x1B480] =	vst v63  }
0xd6: {  	_ =	swait.ge [sflag:s1], $0x800  }
0xd7: {  	[sflag:s1] =	ssyncset.done $0x0  }
0xd8: {  	s9 =	simm.s32 @!p0 $0x0;
	s10 =	simm.s32 @!p0 $0x1;
	[sflag:s1] =	ssyncadd.s32 $0xFFFFF800  }
0xd9: {  	[tilespmem:s9], [sflag:$0x1] =	stream.linear.gather @!p0 [spmem:s29], $0x4000, $0x38;
	[tilespmem:$0x1B480] =	vst v63  }
0xda: {  	_ =	swait.ge @!p0 [sflag:s10], $0x4000  }
0xdb: {  	[sflag:s10] =	ssyncset.done @!p0 $0x0  }
0xdc: {  	s13 =	rddreg [dreg:$0xa];
	[sflag:s10] =	ssyncadd.s32 @!p0 $0xFFFFC000  }
0xdd: {  	[hbm4b:s13+s9] =	stream.linear.scatter @!p0 [tilespmem:s9], [sflag:$0x1], $0x4000, $0x38;
	[tilespmem:$0x1B480] =	vst v63  }
0xde: {  	_ =	swait.ge @!p0 [sflag:s10], $0x4000  }
0xdf: {  	[sflag:s10] =	ssyncset.done @!p0 $0x0  }
0xe0: {  	s13 =	simm.s32 @!p0 $0x4900;
	[sflag:s10] =	ssyncadd.s32 @!p0 $0xFFFFC000  }
0xe1: {  	[tilespmem:s13], [sflag:$0x1] =	stream.linear.gather @!p0 [spmem:s30], $0x800, $0x38;
	[tilespmem:$0x1B480] =	vst v63  }
0xe2: {  	s8 =	sadd.s32 $0x1, s8;
	_ =	swait.ge @!p0 [sflag:s10], $0x800  }
0xe3: {  	p1 =	sne.s32 s8, s31;
	[sflag:s10] =	ssyncset.done @!p0 $0x0  }
.Ltmp1:
0xe4: {  	s15 =	rddreg [dreg:$0xf];
	[sflag:s10] =	ssyncadd.s32 @!p0 $0xFFFFF800;
	(pc) =	sbr.rel @p1 .LBB2_1-.Ltmp1, $4  }
0xe5: {  	[hbm4b:s15+s9] =	stream.linear.scatter @!p0 [tilespmem:s13], [sflag:$0x1], $0x800, $0x38;
	[tilespmem:$0x1B480] =	vst v63  }
0xe6: {  	_ =	swait.ge @!p0 [sflag:s10], $0x800  }
0xe7: {  	[sflag:s10] =	ssyncset.done @!p0 $0x0  }
0xe8: {  	[sflag:s10] =	ssyncadd.s32 @!p0 $0xFFFFF800  }
0xe9: {  	_ =	sfence.sel $0x180000  }
0xea: {  	[bflag:$0x0] =	sbarrier.arrive $0xFFFF  }
0xeb: {  	_ =	strace $0x90000047  }
0xec: {  	s0 =	stileid.u32;
	[bflag:$0x2] =	sbarrier.arrive $0xFFFF  }
0xed: {  	p0 =	sne.s32 s0, $0x0;
	s0 =	rddreg [dreg:$0x5]  }
0xee: {  	s0 =	sadd.s32 @!p0 $0x100000, s0  }
0xef: {  	[sflag:s0] =	ssyncadd.tile.s32 @!p0 $0x1;
	_ =	shalt  }
.Lfunc_end2:
_tile_overlayer_lowered:
.L_overlay_start_2:
0xf0: {  	(tag) =	ssettag $0x2  }
0xf1: {  	s0 =	rddreg [dreg:$0x0];
	s2 =	stileid.u32  }
0xf2: {  	s1 =	rddreg [dreg:$0x1];
	p0 =	sne.s32 s2, $0x0  }
0xf3: {  	s3 =	rddreg [dreg:$0x2];
	[bflag:$0x3] =	sbarrier.arrive $0xFFFF;
	s2 =	simm.s32 @!p0 $0x1C01  }
0xf4: {  	[timem:s3], [sflag:s2] =	dma.local @!p0 [hbm:s0], s1  }
0xf5: {  	s0 =	simm.s32 @!p0 $0x1  }
0xf6: {  	_ =	swait.ge @!p0 [sflag:s0], s1  }
0xf7: {  	s1 =	ssub.s32 @!p0 $0x0, s1;
	[sflag:s0] =	ssyncset.done @!p0 $0x0  }
0xf8: {  	[sflag:s0] =	ssyncadd.s32 @!p0 s1  }
0xf9: {  	[bflag:$0x3] =	sbarrier.arrive $0xFFFF  }
0xfa: {  	_ =	shalt  }

// kernel: kernel.9.cloned.1.call-start
scs
__scs_entry_jumppad:
0x0: {  	(pc) =	sbr.rel $0x88, $3  }
0x1: {  	(tag) =	ssettag $0x0;
	lr =	simm.s32 $0x1  }
0x2: {  	[smem:$0x3F98] =	sst lr;
	_ =	strace $0xD0000000  }
0x3: {  	_ = 	snop  }
0x4: {  	_ = 	snop  }
0x5: {  	_ = 	snop  }
0x6: {  	_ = 	snop  }
0x7: {  	_ = 	snop  }
__scs_overlays_trampoline_lowered:
0x8: {  	[smem:$0x3FA7] =	sst s0  }
0x9: {  	[smem:$0x3FA8] =	sst s1  }
0xa: {  	[smem:$0x3FA9] =	sst s2  }
0xb: {  	[smem:$0x3FAA] =	sst s3  }
0xc: {  	[smem:$0x3FAB] =	sst s4  }
0xd: {  	[smem:$0x3FAC] =	sst s5  }
0xe: {  	[smem:$0x3FAD] =	sst s6  }
0xf: {  	[smem:$0x3FAE] =	sst s7  }
0x10: {  	[smem:$0x3FAF] =	sst s8  }
0x11: {  	[smem:$0x3FB0] =	sst s9;
	s0 =	simm.s32 @!p0 $0x0  }
0x12: {  	s1 =	sld [smem:$0x3F96];
	s0 =	simm.s32 @p0 $0x1  }
0x13: {  	[smem:$0x3FB1] =	sst s0;
	s0 =	simm.s32 @!p1 $0x0  }
0x14: {  	s2 =	sld [smem:$0x3F95];
	s0 =	simm.s32 @p1 $0x1  }
0x15: {  	[smem:$0x3FB2] =	sst s0;
	s0 =	simm.s32 @!p2 $0x0  }
0x16: {  	s3 =	sld [smem:$0x3FDB];
	s0 =	simm.s32 @p2 $0x1  }
0x17: {  	s4 =	simm.s32 $0x1BF5;
	[smem:$0x3FB4] =	sst s0  }
0x18: {  	s0 =	sld [smem:$0x3F97];
	_ =	swait.ge [sflag:s4], $0x0  }
0x19: {  	s7 =	sld [smem:$0x3F98]  }
0x1a: {  	s8 =	sadd.s32 $0xFFFFE003, lr  }
0x1b: {  	s9 =	sadd.s32 $0xFFFFFEF7, lr;
	s5 =	simm.s32 $0xFFFFFFFF;
	p2 =	slt.u32 s8, $0xFFFFF086  }
0x1c: {  	p1 =	slt.u32 s9, $0xF7A;
	s5 =	simm.s32 @!p2 $0x0  }
0x1d: {  	s5 =	simm.s32 @p1 $0x1;
	p0 =	seq.s32 s7, s2  }
0x1e: {  	s7 =	smul.u32 @!p0 $0xF7A, s2;
	p2 =	seq.s32 @!p0 s5, $0x0  }
0x1f: {  	s9 =	smul.u32 $0xF7A, s1;
	s8 =	simm.s32 @!p0 $0x1BF5;
	p2 =	por !p2, p0  }
0x20: {  	[sflag:s8] =	ssyncset.s32 @!p0 $0xFFFFF086;
	s6 =	sadd.s32 @!p0 s3, s7;
	s7 =	simm.s32 @!p0 $0x108  }
0x21: {  	s3 =	sadd.s32 s3, s9;
	s6 =	sadd.s32 @!p0 $0x88, s6;
	s7 =	simm.s32 @p2 $0x1082  }
0x22: {  	[simem:s7], [sflag:s8] =	dma.local @!p0 [hbm:s6], $0xF7A  }
0x23: {  	s9 =	sor.u32 $0xD0000000, s2;
	s6 =	simm.s32 $0x108;
	_ =	swait.ge @!p0 [sflag:s8], $0x0  }
0x24: {  	s3 =	sadd.s32 $0x88, s3;
	s6 =	simm.s32 @!p1 $0x1082;
	[sflag:s4] =	ssyncset.s32 $0xFFFFF086  }
0x25: {  	[simem:s6], [sflag:s4] =	dma.local [hbm:s3], $0xF7A  }
0x26: {  	[smem:$0x3F98] =	sst s1;
	(tag) =	ssettag s2;
	_ =	strace s9  }
0x27: {  	s1 =	sld [smem:$0x3FA8]  }
0x28: {  	s2 =	sld [smem:$0x3FA9]  }
0x29: {  	s4 =	sld [smem:$0x3FAB]  }
0x2a: {  	p0 =	seq.s32 s5, $0x0;
	s5 =	sld [smem:$0x3FAC]  }
0x2b: {  	s6 =	sld [smem:$0x3FAD]  }
0x2c: {  	s7 =	sld [smem:$0x3FAE]  }
0x2d: {  	s3 =	simm.s32 $0x108;
	s8 =	sld [smem:$0x3FAF]  }
0x2e: {  	s3 =	simm.s32 @!p0 $0x1082;
	s9 =	sld [smem:$0x3FB0]  }
0x2f: {  	lr =	sadd.s32 s0, s3;
	s0 =	sld [smem:$0x3FA7]  }
0x30: {  	s3 =	sld [smem:$0x3FAA]  }
0x31: {  	[smem:$0x3FB3] =	sst s10  }
0x32: {  	s10 =	sld [smem:$0x3FB1];
	_ =	sdelay $0x3  }
0x33: {  	p0 =	seq.s32 s10, $0x1;
	s10 =	sld [smem:$0x3FB3];
	_ =	sdelay $0x3  }
0x34: {  	[smem:$0x3FB3] =	sst s10  }
0x35: {  	s10 =	sld [smem:$0x3FB2];
	_ =	sdelay $0x3  }
0x36: {  	p1 =	seq.s32 s10, $0x1;
	s10 =	sld [smem:$0x3FB3];
	_ =	sdelay $0x3  }
0x37: {  	[smem:$0x3FB3] =	sst s10  }
0x38: {  	s10 =	sld [smem:$0x3FB4]  }
0x39: {  	_ = 	snop;
	(pc) =	sbr.ind lr, $3  }
0x3a: {  	_ = 	snop  }
0x3b: {  	_ = 	snop  }
0x3c: {  	p2 =	seq.s32 s10, $0x1;
	s10 =	sld [smem:$0x3FB3]  }
0x3d: {  	_ =	shalt  }
0x3e: {  	_ =	shalt  }
0x3f: {  	_ =	shalt  }
0x40: {  	_ =	shalt  }
0x41: {  	_ =	shalt  }
0x42: {  	_ =	shalt  }
0x43: {  	_ =	shalt  }
0x44: {  	_ =	shalt  }
0x45: {  	_ =	shalt  }
0x46: {  	_ =	shalt  }
0x47: {  	_ =	shalt  }
0x48: {  	_ =	shalt  }
0x49: {  	_ =	shalt  }
0x4a: {  	_ =	shalt  }
0x4b: {  	_ =	shalt  }
0x4c: {  	_ =	shalt  }
0x4d: {  	_ =	shalt  }
0x4e: {  	_ =	shalt  }
0x4f: {  	_ =	shalt  }
0x50: {  	_ =	shalt  }
0x51: {  	_ =	shalt  }
0x52: {  	_ =	shalt  }
0x53: {  	_ =	shalt  }
0x54: {  	_ =	shalt  }
0x55: {  	_ =	shalt  }
0x56: {  	_ =	shalt  }
0x57: {  	_ =	shalt  }
0x58: {  	_ =	shalt  }
0x59: {  	_ =	shalt  }
0x5a: {  	_ =	shalt  }
0x5b: {  	_ =	shalt  }
0x5c: {  	_ =	shalt  }
0x5d: {  	_ =	shalt  }
0x5e: {  	_ =	shalt  }
0x5f: {  	_ =	shalt  }
0x60: {  	_ =	shalt  }
0x61: {  	_ =	shalt  }
0x62: {  	_ =	shalt  }
0x63: {  	_ =	shalt  }
0x64: {  	_ =	shalt  }
0x65: {  	_ =	shalt  }
0x66: {  	_ =	shalt  }
0x67: {  	_ =	shalt  }
0x68: {  	_ =	shalt  }
0x69: {  	_ =	shalt  }
0x6a: {  	_ =	shalt  }
0x6b: {  	_ =	shalt  }
0x6c: {  	_ =	shalt  }
0x6d: {  	_ =	shalt  }
0x6e: {  	_ =	shalt  }
0x6f: {  	_ =	shalt  }
0x70: {  	_ =	shalt  }
0x71: {  	_ =	shalt  }
0x72: {  	_ =	shalt  }
0x73: {  	_ =	shalt  }
0x74: {  	_ =	shalt  }
0x75: {  	_ =	shalt  }
0x76: {  	_ =	shalt  }
0x77: {  	_ =	shalt  }
0x78: {  	_ =	shalt  }
0x79: {  	_ =	shalt  }
0x7a: {  	_ =	shalt  }
0x7b: {  	_ =	shalt  }
0x7c: {  	_ =	shalt  }
0x7d: {  	_ =	shalt  }
0x7e: {  	_ =	shalt  }
0x7f: {  	_ =	shalt  }
0x80: {  	_ =	shalt  }
0x81: {  	_ =	shalt  }
0x82: {  	_ =	shalt  }
0x83: {  	_ =	shalt  }
0x84: {  	_ =	shalt  }
0x85: {  	_ =	shalt  }
0x86: {  	_ =	shalt  }
0x87: {  	_ =	shalt  }
.Lfunc_end0:
.L_simem_size_0:
called_computation.1_lowered:
.L_overlay_start_0:
0x88: {  	s2 =	sld [smem:$0x3FD9]  }
0x89: {  	s3 =	sld [smem:$0x3FFE];
	_ =	sdelay $0x1  }
0x8a: {  	s1 =	srdreg.scid  }
0x8b: {  	s0 =	sand.u32 $0x1, s1  }
0x8c: {  	s17 =	sshll.u32 s0, $0xA;
	s2 =	sadd.s32 s3, s2  }
0x8d: {  	s2 =	sadd.s32 s2, s17  }
0x8e: {  	[smem:$0x3FBF] =	sst s2  }
0x8f: {  	_ = 	snop  }
0x90: {  	s2 =	sld [smem:$0x3FD0];
	(tm) =	ssettm $0x1  }
0x91: {  	s18 =	sld [smem:$0x3FFB];
	_ =	sdelay $0x3  }
0x92: {  	_ =	strace s18  }
0x93: {  	s3 =	sld [smem:$0x3FFC];
	_ =	sdelay $0x3  }
0x94: {  	_ =	strace s3  }
0x95: {  	s3 =	sld [smem:$0x3FFD];
	_ =	sdelay $0x3  }
0x96: {  	_ =	strace s3  }
0x97: {  	_ =	strace $0x8FFFFFFF  }
0x98: {  	s19 =	sld [smem:$0x3FDB];
	_ =	sdelay $0x1  }
0x99: {  	s4 =	simm.s32 $_scs_section_size  }
0x9a: {  	s5 =	simm.s32 $_size__tile_overlayer_lowered;
	s6 =	simm.s32 $_tile_overlayer_lowered  }
0x9b: {  	s22 =	simm.s32 $0x1BFF;
	s21 =	sshll.u32 s6, $0x1;
	s3 =	sadd.s32 s4, s19  }
0x9c: {  	s7 =	simm.s32 $0x0;
	s20 =	sshll.u32 s5, $0x1;
	s5 =	sadd.s32 s21, s3  }
0x9d: {  	[timem:s7], [sflag:s22] =	dma.local [hbm:s5], s20  }
0x9e: {  	_ =	swait.ge [sflag:s22], s20  }
0x9f: {  	s4 =	ssub.s32 $0x0, s20;
	[sflag:s22] =	ssyncset.done $0x0  }
0xa0: {  	[sflag:s22] =	ssyncadd.s32 s4;
	_ =	sdelay $0x1  }
0xa1: {  	s23 =	simm.s32 $0x1B8B  }
0xa2: {  	_ =	swait.ge [sflag:s23], $0x1  }
0xa3: {  	[sflag:s23] =	ssyncset.done $0x0  }
0xa4: {  	s25 =	simm.s32 $0x1B8E;
	s24 =	sld [smem:$0x3FFE];
	[sflag:s23] =	ssyncadd.s32 $0xFFFFFFFF  }
0xa5: {  	s26 =	simm.s32 $execute0_lowered;
	[smem:$0x3FD2] =	sst s25  }
0xa6: {  	s5 =	sshll.u32 s26, $0x1;
	_ =	strace $0x80000049;
	[dreg:$0x1] =	wrdreg $0xFFFFFFFF  }
0xa7: {  	s28 =	simm.s32 $_size_execute0_lowered;
	s3 =	sadd.s32 s3, s5;
	[dreg:$0x0] =	wrdreg $0x0  }
0xa8: {  	s5 =	sshll.u32 s28, $0x1;
	[dreg:$0x2] =	wrdreg s3  }
0xa9: {  	[dreg:$0x3] =	wrdreg s5  }
0xaa: {  	[dreg:$0x4] =	wrdreg $0xC0  }
0xab: {  	_ =	task [dreg:s7], $0x5FFFF  }
0xac: {  	[dreg:$0x1] =	wrdreg $0xFFFFFFFF  }
0xad: {  	[dreg:$0x0] =	wrdreg $0x60  }
0xae: {  	[dreg:$0x2] =	wrdreg s2  }
0xaf: {  	[dreg:$0x3] =	wrdreg s24  }
0xb0: {  	[dreg:$0x4] =	wrdreg $0x41000  }
0xb1: {  	[dreg:$0x5] =	wrdreg $0x9  }
0xb2: {  	_ =	task.clear_ibuf [dreg:s7], $0x6FFFF;
	_ =	strace $0x90000049  }
0xb3: {  	s29 =	simm.s32 $0x9;
	_ =	strace $0x8000004B  }
0xb4: {  	_ =	swait.ge [sflag:s29], $0x1  }
0xb5: {  	[sflag:s29] =	ssyncadd.s32 $0xFFFFFFFF  }
0xb6: {  	_ =	strace $0x9000004B  }
0xb7: {  	_ =	sfence  }
0xb8: {  	s30 =	sld [smem:$0x0];
	_ =	sdelay $0x2  }
0xb9: {  	s31 =	sshll.u32 s1, $0xD;
	s1 =	sshrl.u32 s1, $0x2  }
0xba: {  	s3 =	sand.u32 $0x4000, s31;
	s1 =	sadd.s32 s1, s30  }
0xbb: {  	s0 =	sor.u32 s3, s0;
	s1 =	sshll.u32 s1, $0x11  }
0xbc: {  	s0 =	sor.u32 s1, s0  }
0xbd: {  	s0 =	sadd.s32 $0x8F2B, s0  }
0xbe: {  	[sflag:s0] =	ssyncadd.remote.s32 $0x1  }
0xbf: {  	_ =	sfence.sel $0xFFFF  }
0xc0: {  	[dreg:$0x0] =	wrdreg $0xFFFFFFFF;
	(pc) =	sbr.abs _section_cstart, $3  }
0xc1: {  	[dreg:$0x1] =	wrdreg $0xFFFFFFFF  }
0xc2: {  	_ =	task.clear_ibuf [dreg:s7], $0x2FFFF;
	_ =	strace $0x9FFFFFFF  }
0xc3: {  	(tm) =	ssettm $0x7FFFFFFF  }
tec
execute0_lowered:
.L_overlay_start_1:
0x0: {  	(tag) =	ssettag $0x1  }
0x1: {  	s1 =	rddreg [dreg:$0x0]  }
0x2: {  	s6 =	rddreg [dreg:$0x1];
	s0 =	srdreg.scid  }
0x3: {  	s2 =	rddreg [dreg:$0x2];
	s3 =	simm.s32 $0x0;
	s20 =	simm.s32 $0x4000  }
0x4: {  	s21 =	simm.s32 $0x4080;
	s8 =	sand.u32 $0x1, s0;
	s0 =	rddreg [dreg:$0x3]  }
0x5: {  	s22 =	simm.s32 $0x80;
	s23 =	simm.s32 $0x0;
	[smem:$0x7FF] =	sst s3  }
0x6: {  	s5 =	sadd.s32 $0x16C00, s6;
	s15 =	sadd.s32 $0x3E400, s6;
	s4 =	smul.u32 $0x4F00, s8  }
0x7: {  	_ =	strace $0x8000004A;
	s7 =	ssub.s32 $0x2, s8;
	s18 =	smul.u32 $0x13C000, s8  }
0x8: {  	s29 =	sshrl.u32 s7, $0x1;
	s16 =	sadd.s32 s4, s6;
	s4 =	stileid.u32  }
0x9: {  	s17 =	ssub.s32 s7, s29;
	s11 =	sshll.u32 s4, $0xE;
	s30 =	smul.u32 $0x4F0, s4  }
0xa: {  	p0 =	seq.s32 s4, $0xF;
	s12 =	sor.u32 $0x40000, s11;
	s6 =	sadd.s32 s11, s2  }
0xb: {  	s13 =	sor.u32 $0x80000, s11;
	s14 =	sor.u32 $0xC0000, s11;
	s19 =	sor.u32 $0x100000, s11  }
0xc: {  	s11 =	sadd.s32 s11, s18;
	s7 =	sadd.s32 s12, s2;
	s8 =	sadd.s32 s13, s2  }
0xd: {  	s9 =	sadd.s32 s14, s2;
	s10 =	sadd.s32 s19, s2;
	s12 =	sadd.s32 s18, s12  }
0xe: {  	s11 =	sshrl.u32 s11, $0x3;
	s13 =	sadd.s32 s18, s13;
	s14 =	sadd.s32 s18, s14  }
0xf: {  	s18 =	sadd.s32 s18, s19;
	s31 =	sadd.s32 s30, s16;
	s16 =	smax.u32 s17, $0x1  }
0x10: {  	s19 =	simm.s32 $0x1;
	s12 =	sshrl.u32 s12, $0x3;
	s11 =	sadd.s32 s15, s11  }
0x11: {  	s13 =	sshrl.u32 s13, $0x3;
	s14 =	sshrl.u32 s14, $0x3;
	s18 =	sshrl.u32 s18, $0x3  }
0x12: {  	s17 =	sadd.s32 $0xCE00, s31;
	s12 =	sadd.s32 s15, s12;
	s13 =	sadd.s32 s15, s13  }
0x13: {  	s14 =	sadd.s32 s15, s14;
	s15 =	sadd.s32 s15, s18;
	s18 =	sadd.s32 $0x3000, s31  }
.LBB2_1:
0x14: {  	[tilespmem:s3], [sflag:$0x1] =	stream.linear.gather [hbm4b:s5+s3], $0x4000, $0x38;
	[tilespmem:$0x17D00] =	vst v63  }
0x15: {  	_ =	swait.ge [sflag:s19], $0x4000  }
0x16: {  	[sflag:s19] =	ssyncset.done $0x0  }
0x17: {  	[sflag:s19] =	ssyncadd.s32 $0xFFFFC000  }
0x18: {  	[spmem:s6] =	stream.linear.scatter [tilespmem:s3], [sflag:$0x1], $0x4000, $0x38;
	[tilespmem:$0x17D00] =	vst v63  }
0x19: {  	_ =	swait.ge [sflag:s19], $0x4000  }
0x1a: {  	[sflag:s19] =	ssyncset.done $0x0  }
0x1b: {  	[sflag:s19] =	ssyncadd.s32 $0xFFFFC000  }
0x1c: {  	[spmem:s7] =	stream.linear.scatter [tilespmem:s3], [sflag:$0x1], $0x4000, $0x38;
	[tilespmem:$0x17D00] =	vst v63  }
0x1d: {  	_ =	swait.ge [sflag:s19], $0x4000  }
0x1e: {  	[sflag:s19] =	ssyncset.done $0x0  }
0x1f: {  	[sflag:s19] =	ssyncadd.s32 $0xFFFFC000  }
0x20: {  	[spmem:s8] =	stream.linear.scatter [tilespmem:s3], [sflag:$0x1], $0x4000, $0x38;
	[tilespmem:$0x17D00] =	vst v63  }
0x21: {  	_ =	swait.ge [sflag:s19], $0x4000  }
0x22: {  	[sflag:s19] =	ssyncset.done $0x0  }
0x23: {  	[sflag:s19] =	ssyncadd.s32 $0xFFFFC000  }
0x24: {  	[spmem:s9] =	stream.linear.scatter [tilespmem:s3], [sflag:$0x1], $0x4000, $0x38;
	[tilespmem:$0x17D00] =	vst v63  }
0x25: {  	_ =	swait.ge [sflag:s19], $0x4000  }
0x26: {  	[sflag:s19] =	ssyncset.done $0x0  }
0x27: {  	s24 =	simm.s32 @!p0 $0x0;
	[sflag:s19] =	ssyncadd.s32 $0xFFFFC000  }
0x28: {  	[spmem:s10] =	stream.linear.scatter @!p0 [tilespmem:s24], [sflag:$0x1], $0x4000, $0x38;
	[tilespmem:$0x17D00] =	vst v63  }
0x29: {  	s24 =	simm.s32 @!p0 $0x1  }
0x2a: {  	_ =	swait.ge @!p0 [sflag:s24], $0x4000  }
0x2b: {  	[sflag:s24] =	ssyncset.done @!p0 $0x0  }
0x2c: {  	[sflag:s24] =	ssyncadd.s32 @!p0 $0xFFFFC000  }
0x2d: {  	s30 =	sadd.s32 $0x0, s18;
	[bflag:$0x0] =	sbarrier.arrive $0xFFFF  }
0x2e: {  	[tilespmem:s20], [sflag:$0x1] =	stream.linear.gather [hbm4b:s30+s3], $0x80, $0x38;
	[tilespmem:$0x17D00] =	vst v63  }
0x2f: {  	_ =	swait.ge [sflag:s19], $0x80  }
0x30: {  	[sflag:s19] =	ssyncset.done $0x0  }
0x31: {  	s31 =	sadd.s32 $0x0, s17;
	[sflag:s19] =	ssyncadd.s32 $0xFFFFFF80  }
0x32: {  	[tilespmem:s21], [sflag:$0x1] =	stream.linear.gather [hbm4b:s31+s3], $0x80, $0x38;
	[tilespmem:$0x17D00] =	vst v63  }
0x33: {  	_ =	swait.ge [sflag:s19], $0x80  }
0x34: {  	[sflag:s19] =	ssyncset.done $0x0  }
0x35: {  	[sflag:s19] =	ssyncadd.s32 $0xFFFFFF80  }
0x36: {  	[tilespmem:s3], [sflag:$0x1] =	stream.indirect.gather [hbm4b:s1+s22], $0x80, s20, s22, $0xb8;
	[tilespmem:$0x17D00] =	vst v63  }
0x37: {  	_ =	swait.ge [sflag:s19], $0x4000  }
0x38: {  	[sflag:s19] =	ssyncset.done $0x0  }
0x39: {  	[sflag:s19] =	ssyncadd.s32 $0xFFFFC000  }
0x3a: {  	[spmem:s2] =	stream.indirect.scatter.add.f32 [tilespmem:s3], [sflag:$0x1], $0x80, s21, s22, $0xb8;
	[tilespmem:$0x17D00] =	vst v63  }
0x3b: {  	_ =	swait.ge [sflag:s19], $0x4000  }
0x3c: {  	s25 =	simm.s32 $0x20;
	s24 =	simm.s32 $0x10;
	[sflag:s19] =	ssyncset.done $0x0  }
.LBB2_2:
0x3d: {  	s26 =	sadd.s32 s24, s18  }
0x3e: {  	[sflag:s19] =	ssyncadd.s32 $0xFFFFC000;
	s28 =	smov.u32 s25;
	s29 =	sadd.s32 $0x10, s25  }
0x3f: {  	[tilespmem:s20], [sflag:$0x1] =	stream.linear.gather [hbm4b:s26+s3], $0x80, $0x38;
	[tilespmem:$0x17D00] =	vst v63  }
0x40: {  	p1 =	sne.s32 s25, $0x4E0;
	_ =	swait.ge [sflag:s19], $0x80  }
0x41: {  	[sflag:s19] =	ssyncset.done $0x0  }
0x42: {  	s25 =	sadd.s32 s24, s17;
	s24 =	smov.u32 s28;
	[sflag:s19] =	ssyncadd.s32 $0xFFFFFF80  }
0x43: {  	[tilespmem:s21], [sflag:$0x1] =	stream.linear.gather [hbm4b:s25+s3], $0x80, $0x38;
	[tilespmem:$0x17D00] =	vst v63  }
0x44: {  	_ =	swait.ge [sflag:s19], $0x80  }
0x45: {  	[sflag:s19] =	ssyncset.done $0x0  }
0x46: {  	[sflag:s19] =	ssyncadd.s32 $0xFFFFFF80  }
0x47: {  	[tilespmem:s3], [sflag:$0x1] =	stream.indirect.gather [hbm4b:s1+s22], $0x80, s20, s22, $0xb8;
	[tilespmem:$0x17D00] =	vst v63  }
0x48: {  	_ =	swait.ge [sflag:s19], $0x4000  }
.Ltmp0:
0x49: {  	[sflag:s19] =	ssyncset.done $0x0;
	(pc) =	sbr.rel @p1 .LBB2_2-.Ltmp0, $4  }
0x4a: {  	[sflag:s19] =	ssyncadd.s32 $0xFFFFC000  }
0x4b: {  	[spmem:s2] =	stream.indirect.scatter.add.f32 [tilespmem:s3], [sflag:$0x1], $0x80, s21, s22, $0xb8;
	[tilespmem:$0x17D00] =	vst v63  }
0x4c: {  	_ =	swait.ge [sflag:s19], $0x4000  }
0x4d: {  	s25 =	smov.u32 s29;
	[sflag:s19] =	ssyncset.done $0x0  }
0x4e: {  	s25 =	sadd.s32 s24, s18;
	[sflag:s19] =	ssyncadd.s32 $0xFFFFC000  }
0x4f: {  	[tilespmem:s20], [sflag:$0x1] =	stream.linear.gather [hbm4b:s25+s3], $0x80, $0x38;
	[tilespmem:$0x17D00] =	vst v63  }
0x50: {  	_ =	swait.ge [sflag:s19], $0x80  }
0x51: {  	[sflag:s19] =	ssyncset.done $0x0  }
0x52: {  	s31 =	sadd.s32 s24, s17;
	[sflag:s19] =	ssyncadd.s32 $0xFFFFFF80  }
0x53: {  	[tilespmem:s21], [sflag:$0x1] =	stream.linear.gather [hbm4b:s31+s3], $0x80, $0x38;
	[tilespmem:$0x17D00] =	vst v63  }
0x54: {  	_ =	swait.ge [sflag:s19], $0x80  }
0x55: {  	[sflag:s19] =	ssyncset.done $0x0  }
0x56: {  	[sflag:s19] =	ssyncadd.s32 $0xFFFFFF80  }
0x57: {  	[tilespmem:s3], [sflag:$0x1] =	stream.indirect.gather [hbm4b:s1+s22], $0x80, s20, s22, $0xb8;
	[tilespmem:$0x17D00] =	vst v63  }
0x58: {  	_ =	swait.ge [sflag:s19], $0x4000  }
0x59: {  	[sflag:s19] =	ssyncset.done $0x0  }
0x5a: {  	[sflag:s19] =	ssyncadd.s32 $0xFFFFC000  }
0x5b: {  	[spmem:s2] =	stream.indirect.scatter.add.f32 [tilespmem:s3], [sflag:$0x1], $0x80, s21, s22, $0xb8;
	[tilespmem:$0x17D00] =	vst v63  }
0x5c: {  	_ =	swait.ge [sflag:s19], $0x4000  }
0x5d: {  	[sflag:s19] =	ssyncset.done $0x0  }
0x5e: {  	[sflag:s19] =	ssyncadd.s32 $0xFFFFC000  }
0x5f: {  	[bflag:$0x0] =	sbarrier.arrive $0xFFFF  }
0x60: {  	[tilespmem:s3], [sflag:$0x1] =	stream.linear.gather [spmem:s6], $0x4000, $0x38;
	[tilespmem:$0x17D00] =	vst v63  }
0x61: {  	_ =	swait.ge [sflag:s19], $0x4000  }
0x62: {  	[sflag:s19] =	ssyncset.done $0x0  }
0x63: {  	[sflag:s19] =	ssyncadd.s32 $0xFFFFC000  }
0x64: {  	[hbm4b:s11+s3] =	stream.linear.scatter [tilespmem:s3], [sflag:$0x1], $0x4000, $0x38;
	[tilespmem:$0x17D00] =	vst v63  }
0x65: {  	_ =	swait.ge [sflag:s19], $0x4000  }
0x66: {  	[sflag:s19] =	ssyncset.done $0x0  }
0x67: {  	[sflag:s19] =	ssyncadd.s32 $0xFFFFC000  }
0x68: {  	[tilespmem:s3], [sflag:$0x1] =	stream.linear.gather [spmem:s7], $0x4000, $0x38;
	[tilespmem:$0x17D00] =	vst v63  }
0x69: {  	_ =	swait.ge [sflag:s19], $0x4000  }
0x6a: {  	[sflag:s19] =	ssyncset.done $0x0  }
0x6b: {  	[sflag:s19] =	ssyncadd.s32 $0xFFFFC000  }
0x6c: {  	[hbm4b:s12+s3] =	stream.linear.scatter [tilespmem:s3], [sflag:$0x1], $0x4000, $0x38;
	[tilespmem:$0x17D00] =	vst v63  }
0x6d: {  	_ =	swait.ge [sflag:s19], $0x4000  }
0x6e: {  	[sflag:s19] =	ssyncset.done $0x0  }
0x6f: {  	[sflag:s19] =	ssyncadd.s32 $0xFFFFC000  }
0x70: {  	[tilespmem:s3], [sflag:$0x1] =	stream.linear.gather [spmem:s8], $0x4000, $0x38;
	[tilespmem:$0x17D00] =	vst v63  }
0x71: {  	_ =	swait.ge [sflag:s19], $0x4000  }
0x72: {  	[sflag:s19] =	ssyncset.done $0x0  }
0x73: {  	[sflag:s19] =	ssyncadd.s32 $0xFFFFC000  }
0x74: {  	[hbm4b:s13+s3] =	stream.linear.scatter [tilespmem:s3], [sflag:$0x1], $0x4000, $0x38;
	[tilespmem:$0x17D00] =	vst v63  }
0x75: {  	_ =	swait.ge [sflag:s19], $0x4000  }
0x76: {  	[sflag:s19] =	ssyncset.done $0x0  }
0x77: {  	[sflag:s19] =	ssyncadd.s32 $0xFFFFC000  }
0x78: {  	[tilespmem:s3], [sflag:$0x1] =	stream.linear.gather [spmem:s9], $0x4000, $0x38;
	[tilespmem:$0x17D00] =	vst v63  }
0x79: {  	_ =	swait.ge [sflag:s19], $0x4000  }
0x7a: {  	[sflag:s19] =	ssyncset.done $0x0  }
0x7b: {  	[sflag:s19] =	ssyncadd.s32 $0xFFFFC000  }
0x7c: {  	[hbm4b:s14+s3] =	stream.linear.scatter [tilespmem:s3], [sflag:$0x1], $0x4000, $0x38;
	[tilespmem:$0x17D00] =	vst v63  }
0x7d: {  	_ =	swait.ge [sflag:s19], $0x4000  }
0x7e: {  	[sflag:s19] =	ssyncset.done $0x0  }
0x7f: {  	s24 =	simm.s32 @!p0 $0x0;
	s25 =	simm.s32 @!p0 $0x1;
	[sflag:s19] =	ssyncadd.s32 $0xFFFFC000  }
0x80: {  	[tilespmem:s24], [sflag:$0x1] =	stream.linear.gather @!p0 [spmem:s10], $0x4000, $0x38;
	[tilespmem:$0x17D00] =	vst v63  }
0x81: {  	s23 =	sadd.s32 $0x1, s23;
	_ =	swait.ge @!p0 [sflag:s25], $0x4000  }
0x82: {  	p1 =	sne.s32 s23, s16;
	[sflag:s25] =	ssyncset.done @!p0 $0x0  }
.Ltmp1:
0x83: {  	[sflag:s25] =	ssyncadd.s32 @!p0 $0xFFFFC000;
	(pc) =	sbr.rel @p1 .LBB2_1-.Ltmp1, $4  }
0x84: {  	[hbm4b:s15+s24] =	stream.linear.scatter @!p0 [tilespmem:s24], [sflag:$0x1], $0x4000, $0x38;
	[tilespmem:$0x17D00] =	vst v63  }
0x85: {  	_ =	swait.ge @!p0 [sflag:s25], $0x4000  }
0x86: {  	[sflag:s25] =	ssyncset.done @!p0 $0x0  }
0x87: {  	[sflag:s25] =	ssyncadd.s32 @!p0 $0xFFFFC000  }
0x88: {  	_ =	sfence.sel $0x180000  }
0x89: {  	[bflag:$0x0] =	sbarrier.arrive $0xFFFF  }
0x8a: {  	p0 =	sne.s32 s4, $0x0;
	_ =	strace $0x9000004A  }
0x8b: {  	s0 =	sadd.s32 @!p0 $0x100000, s0;
	[bflag:$0x2] =	sbarrier.arrive $0xFFFF  }
0x8c: {  	[sflag:s0] =	ssyncadd.tile.s32 @!p0 $0x1;
	_ =	shalt  }
.Lfunc_end2:
_tile_overlayer_lowered:
.L_overlay_start_2:
0x8d: {  	(tag) =	ssettag $0x2  }
0x8e: {  	s0 =	rddreg [dreg:$0x0];
	s2 =	stileid.u32  }
0x8f: {  	s1 =	rddreg [dreg:$0x1];
	p0 =	sne.s32 s2, $0x0  }
0x90: {  	s3 =	rddreg [dreg:$0x2];
	[bflag:$0x3] =	sbarrier.arrive $0xFFFF;
	s2 =	simm.s32 @!p0 $0x1C01  }
0x91: {  	[timem:s3], [sflag:s2] =	dma.local @!p0 [hbm:s0], s1  }
0x92: {  	s0 =	simm.s32 @!p0 $0x1  }
0x93: {  	_ =	swait.ge @!p0 [sflag:s0], s1  }
0x94: {  	s1 =	ssub.s32 @!p0 $0x0, s1;
	[sflag:s0] =	ssyncset.done @!p0 $0x0  }
0x95: {  	[sflag:s0] =	ssyncadd.s32 @!p0 s1  }
0x96: {  	[bflag:$0x3] =	sbarrier.arrive $0xFFFF  }
0x97: {  	_ =	shalt  }

</sc_bundles>
